<compile_context>
chip_gen: v7x
topology: tpu7x:2x2x1
jax: 0.10.2.dev20260603
libtpu: 0.0.44.dev20260713+nightly
codegen_flags: <defaults>
</compile_context>

<pallas_src>
import numpy as np
import jax
import jax.numpy as jnp
from jax import lax
from jax.experimental import pallas as pl
from jax.experimental.pallas import tpu as pltpu
from jax.experimental.pallas import tpu_sc as plsc

B = 4
N = 8192
S = 1024
K = 32
R2 = 0.4 * 0.4
CIN = 64
C1 = 64
C2 = 128
L = 16
NWORK = 32
SPW = S * B // NWORK
G = 16
NGRP = SPW // G



def _fps_body(x_ref, o_ref, d_ref):
    xs = x_ref[0]
    ys = x_ref[1]
    zs = x_ref[2]
    d_ref[...] = jnp.full((B, 8, N // 8), 1e10, jnp.float32)
    sub_i = lax.broadcasted_iota(jnp.int32, (B, 8, N // 8), 1)
    lane_i = lax.broadcasted_iota(jnp.int32, (B, 8, N // 8), 2)
    flat_i = sub_i * (N // 8) + lane_i
    lane8 = lax.broadcasted_iota(jnp.int32, (B, 1, 8), 2)

    def step(t, far):
        onehot = flat_i == far
        cx = jnp.sum(jnp.where(onehot, xs, 0.0), axis=(1, 2), keepdims=True)
        cy = jnp.sum(jnp.where(onehot, ys, 0.0), axis=(1, 2), keepdims=True)
        cz = jnp.sum(jnp.where(onehot, zs, 0.0), axis=(1, 2), keepdims=True)
        val = jnp.where(lane8 == 0, cx, jnp.where(lane8 == 1, cy, cz))
        o_ref[:, pl.ds(t, 1), :] = val
        dx = xs - cx
        dy = ys - cy
        dz = zs - cz
        d = dx * dx + dy * dy + dz * dz
        dmin = jnp.minimum(d_ref[...], d)
        d_ref[...] = dmin
        m = jnp.max(dmin, axis=(1, 2), keepdims=True)
        newfar = jnp.min(jnp.where(dmin == m, flat_i, N), axis=(1, 2),
                         keepdims=True)
        return newfar

    lax.fori_loop(0, S, step, jnp.zeros((B, 1, 1), jnp.int32))


def _fps(xyz):
    xx = jnp.transpose(xyz, (1, 0, 2)).reshape(3, B, 8, N // 8)
    return pl.pallas_call(
        _fps_body,
        out_shape=jax.ShapeDtypeStruct((B, S, 8), jnp.float32),
        scratch_shapes=[pltpu.VMEM((B, 8, N // 8), jnp.float32)],
    )(xx)



NB2 = 512


def _k2_body(xyz8_ref, feat_ref, w1x8_ref, w1f_ref, pt_ref, sq_ref):
    xb = xyz8_ref[0]
    fb = feat_ref[0]
    ptx = lax.dot_general(xb, w1x8_ref[...], (((0,), (1,)), ((), ())),
                          preferred_element_type=jnp.float32)
    ptf = lax.dot_general(fb, w1f_ref[...], (((0,), (1,)), ((), ())),
                          preferred_element_type=jnp.float32)
    pt_ref[0] = ptx + ptf
    sq_ref[0] = jnp.sum(xb * xb, axis=0, keepdims=True)


def _k2(xyz8, features, w1x8, w1f):
    return pl.pallas_call(
        _k2_body,
        grid=(B, N // NB2),
        in_specs=[
            pl.BlockSpec((1, 8, NB2), lambda b, i: (b, 0, i)),
            pl.BlockSpec((1, CIN, NB2), lambda b, i: (b, 0, i)),
            pl.BlockSpec((C1, 8), lambda b, i: (0, 0)),
            pl.BlockSpec((C1, CIN), lambda b, i: (0, 0)),
        ],
        out_specs=[
            pl.BlockSpec((1, NB2, C1), lambda b, i: (b, i, 0)),
            pl.BlockSpec((1, 1, NB2), lambda b, i: (b, 0, i)),
        ],
        out_shape=[
            jax.ShapeDtypeStruct((B, N, C1), jnp.float32),
            jax.ShapeDtypeStruct((B, 1, N), jnp.float32),
        ],
    )(xyz8, features, w1x8, w1f)



CG = 256
NC2 = 2048
W_PER_ROW = N // L


def _k2b_body(o_ref, xyz8_ref, sq_ref, pw_ref, w_ref):
    nb = o_ref[0]
    nx = nb[:, 0:1]
    ny = nb[:, 1:2]
    nz = nb[:, 2:3]
    sqn = (nx * nx + ny * ny) + nz * nz
    xb = xyz8_ref[0]
    x = xb[0:1, :]
    y = xb[1:2, :]
    z = xb[2:3, :]
    dot = (nx * x + ny * y) + nz * z
    sqrd = (sqn + sq_ref[0]) - 2.0 * dot
    mask01 = jnp.where(sqrd <= R2, 1.0, 0.0)
    w = lax.dot_general(mask01, pw_ref[...], (((1,), (0,)), ((), ())),
                        preferred_element_type=jnp.float32)
    w_ref[0] = w.astype(jnp.int32)


def _k2b(o, xyz8, sq3d, pw):
    return pl.pallas_call(
        _k2b_body,
        grid=(B, S // CG, N // NC2),
        in_specs=[
            pl.BlockSpec((1, CG, 8), lambda b, cg, nc: (b, cg, 0)),
            pl.BlockSpec((1, 8, NC2), lambda b, cg, nc: (b, 0, nc)),
            pl.BlockSpec((1, 1, NC2), lambda b, cg, nc: (b, 0, nc)),
            pl.BlockSpec((NC2, NC2 // L), lambda b, cg, nc: (0, 0)),
        ],
        out_specs=pl.BlockSpec((1, CG, NC2 // L), lambda b, cg, nc: (b, cg, nc)),
        out_shape=jax.ShapeDtypeStruct((B, S, W_PER_ROW), jnp.int32),
    )(o, xyz8, sq3d, pw)



def _sc_body(w_h, pt_h, out_h, wv, tmpi, cidx, rows, sem, sem2):
    wid = lax.axis_index("s") * 2 + lax.axis_index("c")
    b = wid // (NWORK // B)
    sb = (wid % (NWORK // B)) * SPW

    lane = lax.broadcasted_iota(jnp.int32, (L,), 0)
    base = b * N

    def out_rows(g):
        return out_h.at[pl.ds((b * S + sb + g * G) * K, G * K)]

    def group(g, _):
        wstart = (b * S + sb + g * G) * W_PER_ROW
        pltpu.sync_copy(w_h.at[pl.ds(wstart, G * W_PER_ROW)], wv)
        rbase = (g % 2) * (G * K)
        rhalf = rows.at[pl.ds(rbase, G * K)]

        def cent(c2, _):
            woff = c2 * W_PER_ROW

            def ocond(st):
                wc, cnt = st
                return jnp.logical_and(cnt < K, wc < W_PER_ROW // L)

            def obody(st):
                wc, cnt = st
                wvv = wv[pl.ds(woff + wc * L, L)]

                def icond(ist):
                    wrem, cnt2 = ist
                    return jnp.logical_and(jnp.any(wrem != 0), cnt2 < K)

                def ibody(ist):
                    wrem, cnt2 = ist
                    ffs = plsc.all_reduce_ffs(wrem != 0)
                    w = jnp.sum(jnp.where(lane == ffs, wrem, 0))
                    bits = jnp.bitwise_and(jnp.right_shift(w, lane), 1)
                    m = bits != 0
                    pref = plsc.cumsum(bits)
                    dest = cnt2 + pref - 1
                    pos = (wc * L + ffs) * L + lane
                    plsc.store_scatter(tmpi, [dest], pos, mask=m)
                    return (jnp.where(lane == ffs, 0, wrem),
                            cnt2 + jnp.sum(bits))

                _, cnt = lax.while_loop(icond, ibody, (wvv, cnt))
                return wc + 1, cnt

            _, cntf = lax.while_loop(ocond, obody, (jnp.int32(0), jnp.int32(0)))
            f16 = tmpi[pl.ds(0, L)]
            s16 = tmpi[pl.ds(L, L)]
            first = jnp.sum(jnp.where(lane == 0, f16, 0))
            v0 = jnp.where(lane < cntf, f16, first) + base
            v1 = jnp.where(lane + L < cntf, s16, first) + base
            cidx[pl.ds(c2 * K, L)] = v0
            cidx[pl.ds(c2 * K + L, L)] = v1
            return 0

        lax.fori_loop(0, G, cent, 0)
        @pl.when(g >= 2)
        def _():
            pltpu.make_async_copy(rhalf, out_rows(g - 2), sem2).wait()
        cps = []
        for q in range(4):
            cps.append(pltpu.async_copy(
                pt_h.at[cidx.at[pl.ds(q * 128, 128)]],
                rows.at[pl.ds(rbase + q * 128, 128)], sem))
        for cp in cps:
            cp.wait()
        pltpu.async_copy(rhalf, out_rows(g), sem2)
        return 0

    lax.fori_loop(0, NGRP, group, 0)
    pltpu.make_async_copy(rows.at[pl.ds(0, G * K)], out_rows(NGRP - 2), sem2).wait()
    pltpu.make_async_copy(rows.at[pl.ds(G * K, G * K)], out_rows(NGRP - 1), sem2).wait()


def _sc_ballq_gather(w_flat, pt_flat):
    mesh = plsc.VectorSubcoreMesh(core_axis_name="c", subcore_axis_name="s")
    f = pl.kernel(
        _sc_body,
        out_type=jax.ShapeDtypeStruct((B * S * K, C1), jnp.float32),
        mesh=mesh,
        compiler_params=pltpu.CompilerParams(
            needs_layout_passes=False, use_tc_tiling_on_sc=False),
        scratch_types=[
            pltpu.VMEM((G * W_PER_ROW,), jnp.int32),
            pltpu.VMEM((96,), jnp.int32),
            pltpu.VMEM((G * K,), jnp.int32),
            pltpu.VMEM((2 * G * K, C1), jnp.float32),
            pltpu.SemaphoreType.DMA,
            pltpu.SemaphoreType.DMA,
        ],
    )
    return f(w_flat, pt_flat)



SB4 = 64


def _k4_body(h_ref, o8_ref, w1x8_ref, b1_ref, w2p_ref, b2p_ref, out_ref):
    hb = h_ref[...]
    nb = o8_ref[0]
    c1 = lax.dot_general(nb, w1x8_ref[...], (((1,), (1,)), ((), ())),
                         preferred_element_type=jnp.float32)
    c1p = jnp.concatenate([c1, c1], axis=1)
    b1p = jnp.concatenate([b1_ref[...], b1_ref[...]], axis=1)
    h3 = hb.reshape(SB4, K // 2, 2 * C1)
    h1 = jnp.maximum(h3 - c1p[:, None, :] + b1p[None, :, :], 0.0)
    h2 = lax.dot_general(h1.reshape(SB4 * K // 2, 2 * C1), w2p_ref[...],
                         (((1,), (0,)), ((), ())),
                         preferred_element_type=jnp.float32)
    h2 = jnp.maximum(h2 + b2p_ref[...], 0.0)
    mk = jnp.max(h2.reshape(SB4, K // 2, 2 * C2), axis=1)
    out_ref[0] = jnp.maximum(mk[:, :C2], mk[:, C2:])


def _k4(h2d, o, w1x8, b1r, w2p, b2p):
    return pl.pallas_call(
        _k4_body,
        grid=(B, S // SB4),
        in_specs=[
            pl.BlockSpec((SB4 * K // 2, 2 * C1),
                         lambda b, i: (b * (S // SB4) + i, 0)),
            pl.BlockSpec((1, SB4, 8), lambda b, i: (b, i, 0)),
            pl.BlockSpec((C1, 8), lambda b, i: (0, 0)),
            pl.BlockSpec((1, C1), lambda b, i: (0, 0)),
            pl.BlockSpec((2 * C1, 2 * C2), lambda b, i: (0, 0)),
            pl.BlockSpec((1, 2 * C2), lambda b, i: (0, 0)),
        ],
        out_specs=pl.BlockSpec((1, SB4, C2), lambda b, i: (b, i, 0)),
        out_shape=jax.ShapeDtypeStruct((B, S, C2), jnp.float32),
    )(h2d, o, w1x8, b1r, w2p, b2p)



def kernel(xyz, features, W1, b1, W2, b2):
    w1x8 = jnp.concatenate([W1[:, :3], jnp.zeros((C1, 5), jnp.float32)], axis=1)
    w1f = W1[:, 3:]
    xyz8 = jnp.concatenate([xyz, jnp.zeros((B, 5, N), jnp.float32)], axis=1)

    o = _fps(xyz)
    new_xyz = jnp.transpose(o[:, :, :3], (0, 2, 1))

    pt, sq3d = _k2(xyz8, features, w1x8, w1f)

    pw = jnp.asarray(
        np.eye(NC2 // L, dtype=np.float32).repeat(L, axis=0)
        * np.tile((2.0 ** np.arange(L, dtype=np.float32)), NC2 // L)[:, None])
    w = _k2b(o, xyz8, sq3d, pw)

    h = _sc_ballq_gather(w.reshape(B * S * W_PER_ROW),
                         pt.reshape(B * N, C1))

    w2p = jnp.zeros((2 * C1, 2 * C2), jnp.float32)
    w2p = w2p.at[:C1, :C2].set(W2.T).at[C1:, C2:].set(W2.T)
    b2p = jnp.concatenate([b2, b2]).reshape(1, 2 * C2)
    out_t = _k4(h.reshape(B * S * K // 2, 2 * C1), o, w1x8,
                b1.reshape(1, C1), w2p, b2p)
    new_features = jnp.transpose(out_t, (0, 2, 1))
    return (new_xyz, new_features)

# --- scband reference (transcript-rebuilt; emitter-appended) ---
"""Pipeline reference for scband-pointnet-sa-module-32298154066787 (READ-ONLY COPY).

The authoritative reference and input builder live on the scoring server;
editing this copy changes nothing except your own understanding.
"""

import jax, jax.numpy as jnp
import numpy as np

NPOINT = 1024
RADIUS = 0.4
NSAMPLE = 32


def furthest_point_sampling(xyz_t, npoint):
    # xyz_t: (B, N, 3) -> (B, npoint) int32
    B, N, _ = xyz_t.shape
    dists0 = jnp.full((B, N), 1e10, dtype=xyz_t.dtype)
    far0 = jnp.zeros((B,), dtype=jnp.int32)

    def step(carry, _):
        dists, farthest = carry
        centroid = jnp.take_along_axis(xyz_t, farthest[:, None, None], axis=1)  # (B,1,3)
        d = jnp.sum((xyz_t - centroid) ** 2, axis=-1)  # (B,N)
        dists = jnp.minimum(dists, d)
        new_far = jnp.argmax(dists, axis=-1).astype(jnp.int32)
        return (dists, new_far), farthest

    (_, _), idxs = jax.lax.scan(step, (dists0, far0), None, length=npoint)
    return jnp.transpose(idxs, (1, 0))  # (B, npoint)


def ball_query(new_xyz_t, xyz_t, nsample, radius):
    # new_xyz_t: (B,S,3), xyz_t: (B,N,3) -> (B,S,nsample) int32
    B, S, _ = new_xyz_t.shape
    N = xyz_t.shape[1]
    sq_n = jnp.sum(new_xyz_t ** 2, axis=-1)  # (B,S)
    sq_x = jnp.sum(xyz_t ** 2, axis=-1)  # (B,N)
    sqrd = sq_n[:, :, None] + sq_x[:, None, :] - 2.0 * jnp.einsum('bsd,bnd->bsn', new_xyz_t, xyz_t)
    arange = jnp.broadcast_to(jnp.arange(N, dtype=jnp.int32), (B, S, N))
    gidx = jnp.where(sqrd > radius * radius, N, arange)
    gidx = jnp.sort(gidx, axis=-1)[:, :, :nsample]
    first = gidx[:, :, :1]
    gidx = jnp.where(gidx == N, first, gidx)
    return gidx


def group_points(feat, idx):
    # feat: (B,C,N), idx: (B,S,K) -> (B,C,S,K)
    B, C, N = feat.shape
    _, S, K = idx.shape
    flat = idx.reshape(B, 1, S * K)
    g = jnp.take_along_axis(feat, jnp.broadcast_to(flat, (B, C, S * K)), axis=2)
    return g.reshape(B, C, S, K)


def setup_inputs(seed: int = 0):
    key = jax.random.key(seed)
    k1, k2, k3, k4 = jax.random.split(key, 4)
    xyz = jax.random.normal(k1, (4, 3, 8192), dtype=jnp.float32)
    features = jax.random.normal(k2, (4, 64, 8192), dtype=jnp.float32)
    # mlp = [[64,64],[64,128]]; use_xyz=True -> first in_channel 64+3=67
    W1 = jax.random.normal(k3, (64, 67), dtype=jnp.float32) * 0.1
    b1 = jnp.zeros((64,), dtype=jnp.float32)
    W2 = jax.random.normal(k4, (128, 64), dtype=jnp.float32) * 0.1
    b2 = jnp.zeros((128,), dtype=jnp.float32)
    return {"xyz": xyz, "features": features, "W1": W1, "b1": b1, "W2": W2, "b2": b2}


def reference(xyz, features, W1, b1, W2, b2):
    B = xyz.shape[0]
    xyz_t = jnp.transpose(xyz, (0, 2, 1))  # (B,N,3)
    fps_idx = furthest_point_sampling(xyz_t, NPOINT)  # (B,S)
    # gather_points: (B,3,S)
    new_xyz = jnp.take_along_axis(xyz, jnp.broadcast_to(fps_idx[:, None, :], (B, 3, NPOINT)), axis=2)
    new_xyz_t = jnp.transpose(new_xyz, (0, 2, 1))  # (B,S,3)
    idx = ball_query(new_xyz_t, xyz_t, NSAMPLE, RADIUS)  # (B,S,K)
    grouped_xyz = group_points(xyz, idx)  # (B,3,S,K)
    grouped_xyz = grouped_xyz - new_xyz[:, :, :, None]
    grouped_features = group_points(features, idx)  # (B,64,S,K)
    new_features = jnp.concatenate([grouped_xyz, grouped_features], axis=1)  # (B,67,S,K)
    h = jax.nn.relu(jnp.einsum('oi,bisk->bosk', W1, new_features) + b1[None, :, None, None])
    h = jax.nn.relu(jnp.einsum('oi,bisk->bosk', W2, h) + b2[None, :, None, None])
    new_features = jnp.max(h, axis=3)  # (B,128,S)
    return (new_xyz, new_features)

if __name__ == "__main__":
    import jax
    _d = setup_inputs()
    print(jax.jit(kernel)(*tuple(_d.values())))

</pallas_src>

<mosaic_0001>
#map = affine_map<(d0, d1) -> (0)>
#map1 = affine_map<(d0, d1) -> (0, 0)>
module attributes {stable_mosaic.version = 14 : i64} {
  func.func @_sc_body(%arg0: i32, %arg1: i32, %arg2: memref<2097152xi32, #tpu.memory_space<hbm>>, %arg3: memref<32768x64xf32, #tpu.memory_space<hbm>>, %arg4: memref<131072x64xf32, #tpu.memory_space<hbm>>, %arg5: memref<8192xi32, #tpu.memory_space<vmem>>, %arg6: memref<96xi32, #tpu.memory_space<vmem>>, %arg7: memref<512xi32, #tpu.memory_space<vmem>>, %arg8: memref<1024x64xf32, #tpu.memory_space<vmem>>, %arg9: memref<!tpu.dma_semaphore, #tpu.memory_space<semaphore_mem>>, %arg10: memref<!tpu.dma_semaphore, #tpu.memory_space<semaphore_mem>>) attributes {dimension_semantics = [#tpu.dimension_semantics<core_parallel>, #tpu.dimension_semantics<subcore_parallel>], iteration_bounds = array<i64: 2, 16>, scalar_prefetch = 0 : i64, scratch_operands = 6 : i64, tpu.core_type = #tpu.core_type<sc_vector_subcore>, window_params = [{transform_indices = #map}, {transform_indices = #map1}, {transform_indices = #map1}]} {
    %mul3A = arith.constant 2 : i32
    %mul3A_0 = arith.muli %arg1, %mul3A : i32
    %add3A = arith.addi %mul3A_0, %arg0 : i32
    %jit3A = arith.constant 8 : i32
    %div3A = arith.divsi %add3A, %jit3A : i32
    %sign3A = arith.constant 0 : i32
    %sign3A_1 = arith.cmpi sgt, %add3A, %sign3A : i32
    %sign3A_2 = arith.extui %sign3A_1 : i1 to i32
    %sign3A_3 = arith.constant 0 : i32
    %sign3A_4 = arith.cmpi slt, %add3A, %sign3A_3 : i32
    %sign3A_5 = arith.extui %sign3A_4 : i1 to i32
    %sign3A_6 = arith.subi %sign3A_2, %sign3A_5 : i32
    %sign3A_7 = arith.constant 0 : i32
    %sign3A_8 = arith.cmpi sgt, %jit3A, %sign3A_7 : i32
    %sign3A_9 = arith.extui %sign3A_8 : i1 to i32
    %sign3A_10 = arith.constant 0 : i32
    %sign3A_11 = arith.cmpi slt, %jit3A, %sign3A_10 : i32
    %sign3A_12 = arith.extui %sign3A_11 : i1 to i32
    %sign3A_13 = arith.subi %sign3A_9, %sign3A_12 : i32
    %ne3A = arith.cmpi ne, %sign3A_6, %sign3A_13 : i32
    %rem3A = arith.remsi %add3A, %jit3A : i32
    %ne3A_14 = arith.constant 0 : i32
    %ne3A_15 = arith.cmpi ne, %rem3A, %ne3A_14 : i32
    %and3A = arith.andi %ne3A, %ne3A_15 : i1
    %sub3A = arith.constant 1 : i32
    %sub3A_16 = arith.subi %div3A, %sub3A : i32
    %select_n3A = arith.select %and3A, %sub3A_16, %div3A : i32
    %jit3A_17 = arith.constant 8 : i32
    %eq3A = arith.constant 0 : i32
    %eq3A_18 = arith.cmpi eq, %jit3A_17, %eq3A : i32
    %jit3A_19 = arith.constant 1 : i32
    %select_n3A_20 = arith.select %eq3A_18, %jit3A_19, %jit3A_17 : i32
    %rem3A_21 = arith.remsi %add3A, %select_n3A_20 : i32
    %ne3A_22 = arith.constant 0 : i32
    %ne3A_23 = arith.cmpi ne, %rem3A_21, %ne3A_22 : i32
    %lt3A = arith.constant 0 : i32
    %lt3A_24 = arith.cmpi slt, %rem3A_21, %lt3A : i32
    %lt3A_25 = arith.constant 0 : i32
    %lt3A_26 = arith.cmpi slt, %select_n3A_20, %lt3A_25 : i32
    %ne3A_27 = arith.xori %lt3A_24, %lt3A_26 : i1
    %and3A_28 = arith.andi %ne3A_27, %ne3A_23 : i1
    %add3A_29 = arith.addi %rem3A_21, %select_n3A_20 : i32
    %select_n3A_30 = arith.select %and3A_28, %add3A_29, %rem3A_21 : i32
    %mul3A_31 = arith.constant 128 : i32
    %mul3A_32 = arith.muli %select_n3A_30, %mul3A_31 : i32
    %iota3A = tpu.iota {dimensions = array<i32: 0>} : vector<16xi32>
    %mul3A_33 = arith.constant 8192 : i32
    %mul3A_34 = arith.muli %select_n3A, %mul3A_33 : i32
    %scan3A = arith.constant 0 : i32
    %scan3A_35 = arith.constant 0 : i32
    %scan3A_36 = arith.constant 8 : i32
    %scan3A_37 = arith.addi %scan3A_35, %scan3A_36 : i32
    %scan3A_38 = arith.constant 1 : i32
    %scan3A_39 = scf.for %scan3A_74 = %scan3A_35 to %scan3A_37 step %scan3A_38 iter_args(%scan3A_75 = %scan3A) -> (i32)  : i32 {
      %mul3A_76 = arith.constant 1024 : i32
      %mul3A_77 = arith.muli %select_n3A, %mul3A_76 : i32
      %add3A_78 = arith.addi %mul3A_77, %mul3A_32 : i32
      %mul3A_79 = arith.constant 16 : i32
      %mul3A_80 = arith.muli %scan3A_74, %mul3A_79 : i32
      %add3A_81 = arith.addi %add3A_78, %mul3A_80 : i32
      %mul3A_82 = arith.constant 512 : i32
      %mul3A_83 = arith.muli %add3A_81, %mul3A_82 : i32
      "tpu.region"() ({
        %run_scoped3A = tpu.sem_alloc : memref<!tpu.dma_semaphore, #tpu.memory_space<semaphore_mem>>
        %dma_start3A_191 = tpu.memref_slice %arg2[%mul3A_83] : memref<2097152xi32, #tpu.memory_space<hbm>> -> memref<8192xi32, #tpu.memory_space<hbm>>
        %dma_start3A_192 = tpu.memref_slice %arg2[%mul3A_83] : memref<2097152xi32, #tpu.memory_space<hbm>> -> memref<8192xi32, #tpu.memory_space<hbm>>
        tpu.enqueue_dma source(%dma_start3A_192 : memref<8192xi32, #tpu.memory_space<hbm>>) target(%arg5 : memref<8192xi32, #tpu.memory_space<vmem>>) target_semaphore(%run_scoped3A : memref<!tpu.dma_semaphore, #tpu.memory_space<semaphore_mem>>)
        %dma_wait3A_193 = tpu.memref_slice %arg2[%mul3A_83] : memref<2097152xi32, #tpu.memory_space<hbm>> -> memref<8192xi32, #tpu.memory_space<hbm>>
        %dma_wait3A_194 = tpu.memref_slice %arg2[%mul3A_83] : memref<2097152xi32, #tpu.memory_space<hbm>> -> memref<8192xi32, #tpu.memory_space<hbm>>
        tpu.wait_dma2 semaphore(%run_scoped3A : memref<!tpu.dma_semaphore, #tpu.memory_space<semaphore_mem>>) src(%dma_wait3A_194 : memref<8192xi32, #tpu.memory_space<hbm>>) dst(%arg5 : memref<8192xi32, #tpu.memory_space<vmem>>)
        tpu.yield
      }) : () -> ()
      %jit3A_84 = arith.constant 2 : i32
      %eq3A_85 = arith.constant 0 : i32
      %eq3A_86 = arith.cmpi eq, %jit3A_84, %eq3A_85 : i32
      %jit3A_87 = arith.constant 1 : i32
      %select_n3A_88 = arith.select %eq3A_86, %jit3A_87, %jit3A_84 : i32
      %rem3A_89 = arith.remsi %scan3A_74, %select_n3A_88 : i32
      %ne3A_90 = arith.constant 0 : i32
      %ne3A_91 = arith.cmpi ne, %rem3A_89, %ne3A_90 : i32
      %lt3A_92 = arith.constant 0 : i32
      %lt3A_93 = arith.cmpi slt, %rem3A_89, %lt3A_92 : i32
      %lt3A_94 = arith.constant 0 : i32
      %lt3A_95 = arith.cmpi slt, %select_n3A_88, %lt3A_94 : i32
      %ne3A_96 = arith.xori %lt3A_93, %lt3A_95 : i1
      %and3A_97 = arith.andi %ne3A_96, %ne3A_91 : i1
      %add3A_98 = arith.addi %rem3A_89, %select_n3A_88 : i32
      %select_n3A_99 = arith.select %and3A_97, %add3A_98, %rem3A_89 : i32
      %mul3A_100 = arith.constant 512 : i32
      %mul3A_101 = arith.muli %select_n3A_99, %mul3A_100 : i32
      %scan3A_102 = arith.constant 0 : i32
      %scan3A_103 = arith.constant 0 : i32
      %scan3A_104 = arith.constant 16 : i32
      %scan3A_105 = arith.addi %scan3A_103, %scan3A_104 : i32
      %scan3A_106 = arith.constant 1 : i32
      %scan3A_107 = scf.for %scan3A_191 = %scan3A_103 to %scan3A_105 step %scan3A_106 iter_args(%scan3A_192 = %scan3A_102) -> (i32)  : i32 {
        %mul3A_193 = arith.constant 512 : i32
        %mul3A_194 = arith.muli %scan3A_191, %mul3A_193 : i32
        %while3A = arith.constant 0 : i32
        %while3A_195 = arith.constant 0 : i32
        %while3A_196:2 = scf.while (%while3A_233 = %while3A, %while3A_234 = %while3A_195) : (i32, i32) -> (i32, i32) {
          %lt3A_235 = arith.constant 32 : i32
          %lt3A_236 = arith.cmpi slt, %while3A_234, %lt3A_235 : i32
          %lt3A_237 = arith.constant 32 : i32
          %lt3A_238 = arith.cmpi slt, %while3A_233, %lt3A_237 : i32
          %and3A_239 = arith.andi %lt3A_236, %lt3A_238 : i1
          scf.condition(%and3A_239) %while3A_233, %while3A_234 : i32, i32
        } do {
        ^bb0(%while3A_233: i32, %while3A_234: i32):
          %mul3A_235 = arith.constant 16 : i32
          %mul3A_236 = arith.muli %while3A_233, %mul3A_235 : i32
          %add3A_237 = arith.addi %mul3A_194, %mul3A_236 : i32
          %get3A_238 = arith.index_cast %add3A_237 : i32 to index
          %get3A_239 = tpu.vector_load %arg5[%get3A_238] {strides = array<i32>} : memref<8192xi32, #tpu.memory_space<vmem>>, vector<16xi32>,
          %while3A_240:2 = scf.while (%while3A_243 = %get3A_239, %while3A_244 = %while3A_234) : (vector<16xi32>, i32) -> (vector<16xi32>, i32) {
            %ne3A_245 = arith.constant 0 : i32
            %ne3A_246 = vector.broadcast %ne3A_245 : i32 to vector<16xi32>
            %ne3A_247 = arith.cmpi ne, %while3A_243, %ne3A_246 : vector<16xi32>
            %reduce_or3A = arith.constant 1.000000e+00 : f32
            %reduce_or3A_248 = arith.constant 0.000000e+00 : f32
            %reduce_or3A_249 = vector.broadcast %reduce_or3A : f32 to vector<16xf32>
            %reduce_or3A_250 = vector.broadcast %reduce_or3A_248 : f32 to vector<16xf32>
            %reduce_or3A_251 = arith.select %ne3A_247, %reduce_or3A_249, %reduce_or3A_250 : vector<16xi1>, vector<16xf32>
            %reduce_or3A_252 = arith.constant true
            %reduce_or3A_253 = vector.broadcast %reduce_or3A_252 : i1 to vector<16xi1>
            %reduce_or3A_254 = tpu.scan <max>, %reduce_or3A_251 masked %reduce_or3A_253 : vector<16xf32>, vector<16xi1> -> vector<16xf32>
            %reduce_or3A_255 = vector.extract %reduce_or3A_254[15] : f32 from vector<16xf32>
            %reduce_or3A_256 = arith.constant 0.000000e+00 : f32
            %reduce_or3A_257 = arith.cmpf ogt, %reduce_or3A_255, %reduce_or3A_256 : f32
            %lt3A_258 = arith.constant 32 : i32
            %lt3A_259 = arith.cmpi slt, %while3A_244, %lt3A_258 : i32
            %and3A_260 = arith.andi %reduce_or3A_257, %lt3A_259 : i1
            scf.condition(%and3A_260) %while3A_243, %while3A_244 : vector<16xi32>, i32
          } do {
          ^bb0(%while3A_243: vector<16xi32>, %while3A_244: i32):
            %ne3A_245 = arith.constant 0 : i32
            %ne3A_246 = vector.broadcast %ne3A_245 : i32 to vector<16xi32>
            %ne3A_247 = arith.cmpi ne, %while3A_243, %ne3A_246 : vector<16xi32>
            %all_reduce_ffs3A = tpu.all_reduce %ne3A_247 {dim = 0 : i64, kind = #tpu.reduction_kind<find_first_set>} : vector<16xi1> -> vector<16xi32>
            %eq3A_248 = arith.cmpi eq, %iota3A, %all_reduce_ffs3A : vector<16xi32>
            %jit3A_249 = arith.constant 0 : i32
            %broadcast_in_dim3A_250 = vector.broadcast %jit3A_249 : i32 to vector<16xi32>
            %select_n3A_251 = arith.select %eq3A_248, %while3A_243, %broadcast_in_dim3A_250 : vector<16xi1>, vector<16xi32>
            %reduce_sum3A_252 = arith.constant true
            %reduce_sum3A_253 = vector.broadcast %reduce_sum3A_252 : i1 to vector<16xi1>
            %reduce_sum3A_254 = tpu.scan <sum>, %select_n3A_251 masked %reduce_sum3A_253 : vector<16xi32>, vector<16xi1> -> vector<16xi32>
            %reduce_sum3A_255 = vector.extract %reduce_sum3A_254[15] : i32 from vector<16xi32>
            %shift_right_arithmetic3A = vector.broadcast %reduce_sum3A_255 : i32 to vector<16xi32>
            %shift_right_arithmetic3A_256 = arith.shrsi %shift_right_arithmetic3A, %iota3A : vector<16xi32>
            %and3A_257 = arith.constant 1 : i32
            %and3A_258 = vector.broadcast %and3A_257 : i32 to vector<16xi32>
            %and3A_259 = arith.andi %shift_right_arithmetic3A_256, %and3A_258 : vector<16xi32>
            %ne3A_260 = arith.constant 0 : i32
            %ne3A_261 = vector.broadcast %ne3A_260 : i32 to vector<16xi32>
            %ne3A_262 = arith.cmpi ne, %and3A_259, %ne3A_261 : vector<16xi32>
            %broadcast_in_dim3A_263 = arith.constant true
            %broadcast_in_dim3A_264 = vector.broadcast %broadcast_in_dim3A_263 : i1 to vector<16xi1>
            %masked_cumsum3A = tpu.scan <sum>, %and3A_259 masked %broadcast_in_dim3A_264 : vector<16xi32>, vector<16xi1> -> vector<16xi32>
            %add3A_265 = vector.broadcast %while3A_244 : i32 to vector<16xi32>
            %add3A_266 = arith.addi %add3A_265, %masked_cumsum3A : vector<16xi32>
            %sub3A_267 = arith.constant 1 : i32
            %sub3A_268 = vector.broadcast %sub3A_267 : i32 to vector<16xi32>
            %sub3A_269 = arith.subi %add3A_266, %sub3A_268 : vector<16xi32>
            %mul3A_270 = arith.constant 16 : i32
            %mul3A_271 = arith.muli %while3A_233, %mul3A_270 : i32
            %add3A_272 = vector.broadcast %mul3A_271 : i32 to vector<16xi32>
            %add3A_273 = arith.addi %add3A_272, %all_reduce_ffs3A : vector<16xi32>
            %mul3A_274 = arith.constant 16 : i32
            %mul3A_275 = vector.broadcast %mul3A_274 : i32 to vector<16xi32>
            %mul3A_276 = arith.muli %add3A_273, %mul3A_275 : vector<16xi32>
            %add3A_277 = arith.addi %mul3A_276, %iota3A : vector<16xi32>
            tpu.vector_store_idx %arg6[%sub3A_269], %add3A_277 masked %ne3A_262 : memref<96xi32, #tpu.memory_space<vmem>>[vector<16xi32>], vector<16xi32>, vector<16xi1>
            %eq3A_278 = arith.cmpi eq, %iota3A, %all_reduce_ffs3A : vector<16xi32>
            %jit3A_279 = arith.constant 0 : i32
            %broadcast_in_dim3A_280 = vector.broadcast %jit3A_279 : i32 to vector<16xi32>
            %select_n3A_281 = arith.select %eq3A_278, %broadcast_in_dim3A_280, %while3A_243 : vector<16xi1>, vector<16xi32>
            %reduce_sum3A_282 = arith.constant true
            %reduce_sum3A_283 = vector.broadcast %reduce_sum3A_282 : i1 to vector<16xi1>
            %reduce_sum3A_284 = tpu.scan <sum>, %and3A_259 masked %reduce_sum3A_283 : vector<16xi32>, vector<16xi1> -> vector<16xi32>
            %reduce_sum3A_285 = vector.extract %reduce_sum3A_284[15] : i32 from vector<16xi32>
            %add3A_286 = arith.addi %while3A_244, %reduce_sum3A_285 : i32
            scf.yield %select_n3A_281, %add3A_286 : vector<16xi32>, i32
          }
          %add3A_241 = arith.constant 1 : i32
          %add3A_242 = arith.addi %while3A_233, %add3A_241 : i32
          scf.yield %add3A_242, %while3A_240#1 : i32, i32
        }
        %get3A = arith.constant 0 : index
        %get3A_197 = tpu.vector_load %arg6[%get3A] {strides = array<i32>} : memref<96xi32, #tpu.memory_space<vmem>>, vector<16xi32>,
        %get3A_198 = arith.constant 16 : index
        %get3A_199 = tpu.vector_load %arg6[%get3A_198] {strides = array<i32>} : memref<96xi32, #tpu.memory_space<vmem>>, vector<16xi32>,
        %eq3A_200 = arith.constant 0 : i32
        %eq3A_201 = vector.broadcast %eq3A_200 : i32 to vector<16xi32>
        %eq3A_202 = arith.cmpi eq, %iota3A, %eq3A_201 : vector<16xi32>
        %jit3A_203 = arith.constant 0 : i32
        %broadcast_in_dim3A = vector.broadcast %jit3A_203 : i32 to vector<16xi32>
        %select_n3A_204 = arith.select %eq3A_202, %get3A_197, %broadcast_in_dim3A : vector<16xi1>, vector<16xi32>
        %reduce_sum3A = arith.constant true
        %reduce_sum3A_205 = vector.broadcast %reduce_sum3A : i1 to vector<16xi1>
        %reduce_sum3A_206 = tpu.scan <sum>, %select_n3A_204 masked %reduce_sum3A_205 : vector<16xi32>, vector<16xi1> -> vector<16xi32>
        %reduce_sum3A_207 = vector.extract %reduce_sum3A_206[15] : i32 from vector<16xi32>
        %lt3A_208 = vector.broadcast %while3A_196#1 : i32 to vector<16xi32>
        %lt3A_209 = arith.cmpi slt, %iota3A, %lt3A_208 : vector<16xi32>
        %broadcast_in_dim3A_210 = vector.broadcast %reduce_sum3A_207 : i32 to vector<16xi32>
        %select_n3A_211 = arith.select %lt3A_209, %get3A_197, %broadcast_in_dim3A_210 : vector<16xi1>, vector<16xi32>
        %add3A_212 = vector.broadcast %mul3A_34 : i32 to vector<16xi32>
        %add3A_213 = arith.addi %select_n3A_211, %add3A_212 : vector<16xi32>
        %add3A_214 = arith.constant 16 : i32
        %add3A_215 = vector.broadcast %add3A_214 : i32 to vector<16xi32>
        %add3A_216 = arith.addi %iota3A, %add3A_215 : vector<16xi32>
        %lt3A_217 = vector.broadcast %while3A_196#1 : i32 to vector<16xi32>
        %lt3A_218 = arith.cmpi slt, %add3A_216, %lt3A_217 : vector<16xi32>
        %broadcast_in_dim3A_219 = vector.broadcast %reduce_sum3A_207 : i32 to vector<16xi32>
        %select_n3A_220 = arith.select %lt3A_218, %get3A_199, %broadcast_in_dim3A_219 : vector<16xi1>, vector<16xi32>
        %add3A_221 = vector.broadcast %mul3A_34 : i32 to vector<16xi32>
        %add3A_222 = arith.addi %select_n3A_220, %add3A_221 : vector<16xi32>
        %mul3A_223 = arith.constant 32 : i32
        %mul3A_224 = arith.muli %scan3A_191, %mul3A_223 : i32
        %swap3A = arith.index_cast %mul3A_224 : i32 to index
        %swap3A_225 = tpu.vector_load %arg7[%swap3A] {strides = array<i32>} : memref<512xi32, #tpu.memory_space<vmem>>, vector<16xi32>,
        tpu.vector_store %arg7[%swap3A], %add3A_213 {strides = array<i32>} : memref<512xi32, #tpu.memory_space<vmem>>, vector<16xi32>,
        %mul3A_226 = arith.constant 32 : i32
        %mul3A_227 = arith.muli %scan3A_191, %mul3A_226 : i32
        %add3A_228 = arith.constant 16 : i32
        %add3A_229 = arith.addi %mul3A_227, %add3A_228 : i32
        %swap3A_230 = arith.index_cast %add3A_229 : i32 to index
        %swap3A_231 = tpu.vector_load %arg7[%swap3A_230] {strides = array<i32>} : memref<512xi32, #tpu.memory_space<vmem>>, vector<16xi32>,
        tpu.vector_store %arg7[%swap3A_230], %add3A_222 {strides = array<i32>} : memref<512xi32, #tpu.memory_space<vmem>>, vector<16xi32>,
        %scan3A_232 = arith.constant 0 : i32
        scf.yield %scan3A_232 : i32
      }
      %scan3A_108 = arith.constant 16 : i32
      %ge3A = arith.constant 2 : i32
      %ge3A_109 = arith.cmpi sge, %scan3A_74, %ge3A : i32
      %convert_element_type3A = arith.extui %ge3A_109 : i1 to i32
      %cond3A = arith.constant 0 : i32
      %cond3A_110 = arith.cmpi ne, %convert_element_type3A, %cond3A : i32
      scf.if %cond3A_110 {
        %sub3A_191 = arith.constant 2 : i32
        %sub3A_192 = arith.subi %scan3A_74, %sub3A_191 : i32
        %mul3A_193 = arith.constant 1024 : i32
        %mul3A_194 = arith.muli %select_n3A, %mul3A_193 : i32
        %add3A_195 = arith.addi %mul3A_194, %mul3A_32 : i32
        %mul3A_196 = arith.constant 16 : i32
        %mul3A_197 = arith.muli %sub3A_192, %mul3A_196 : i32
        %add3A_198 = arith.addi %add3A_195, %mul3A_197 : i32
        %mul3A_199 = arith.constant 32 : i32
        %mul3A_200 = arith.muli %add3A_198, %mul3A_199 : i32
        %dma_wait3A_201 = arith.constant 0 : i32
        %dma_wait3A_202 = tpu.memref_slice %arg8[%mul3A_101, %dma_wait3A_201] : memref<1024x64xf32, #tpu.memory_space<vmem>> -> memref<512x64xf32, #tpu.memory_space<vmem>>
        %dma_wait3A_203 = arith.constant 0 : i32
        %dma_wait3A_204 = tpu.memref_slice %arg4[%mul3A_200, %dma_wait3A_203] : memref<131072x64xf32, #tpu.memory_space<hbm>> -> memref<512x64xf32, #tpu.memory_space<hbm>>
        %dma_wait3A_205 = arith.constant 0 : i32
        %dma_wait3A_206 = tpu.memref_slice %arg4[%mul3A_200, %dma_wait3A_205] : memref<131072x64xf32, #tpu.memory_space<hbm>> -> memref<512x64xf32, #tpu.memory_space<hbm>>
        %dma_wait3A_207 = arith.constant 0 : i32
        %dma_wait3A_208 = tpu.memref_slice %arg8[%mul3A_101, %dma_wait3A_207] : memref<1024x64xf32, #tpu.memory_space<vmem>> -> memref<512x64xf32, #tpu.memory_space<vmem>>
        tpu.wait_dma2 semaphore(%arg10 : memref<!tpu.dma_semaphore, #tpu.memory_space<semaphore_mem>>) src(%dma_wait3A_208 : memref<512x64xf32, #tpu.memory_space<vmem>>) dst(%dma_wait3A_206 : memref<512x64xf32, #tpu.memory_space<hbm>>)
      } else {
      }
      %add3A_111 = arith.constant 0 : i32
      %add3A_112 = arith.addi %mul3A_101, %add3A_111 : i32
      %dma_start3A = arith.constant 0 : i32
      %dma_start3A_113 = tpu.memref_slice %arg8[%add3A_112, %dma_start3A] : memref<1024x64xf32, #tpu.memory_space<vmem>> -> memref<128x64xf32, #tpu.memory_space<vmem>>
      %dma_start3A_114 = arith.constant 0 : i32
      %dma_start3A_115 = tpu.memref_slice %arg7[%dma_start3A_114] : memref<512xi32, #tpu.memory_space<vmem>> -> memref<128xi32, #tpu.memory_space<vmem>>
      %dma_start3A_116 = arith.constant 0 : i32
      %dma_start3A_117 = arith.constant 0 : i32
      %dma_start3A_118 = tpu.memref_slice %arg3[%dma_start3A_116, %dma_start3A_117] : memref<32768x64xf32, #tpu.memory_space<hbm>> -> memref<32768x64xf32, #tpu.memory_space<hbm>>
      tpu.enqueue_indirect_dma source(%dma_start3A_118 : memref<32768x64xf32, #tpu.memory_space<hbm>>) target(%dma_start3A_113 : memref<128x64xf32, #tpu.memory_space<vmem>>) offsets(%dma_start3A_115 : memref<128xi32, #tpu.memory_space<vmem>>) semaphore(%arg9 : memref<!tpu.dma_semaphore, #tpu.memory_space<semaphore_mem>>)
      %add3A_119 = arith.constant 128 : i32
      %add3A_120 = arith.addi %mul3A_101, %add3A_119 : i32
      %dma_start3A_121 = arith.constant 0 : i32
      %dma_start3A_122 = tpu.memref_slice %arg8[%add3A_120, %dma_start3A_121] : memref<1024x64xf32, #tpu.memory_space<vmem>> -> memref<128x64xf32, #tpu.memory_space<vmem>>
      %dma_start3A_123 = arith.constant 128 : i32
      %dma_start3A_124 = tpu.memref_slice %arg7[%dma_start3A_123] : memref<512xi32, #tpu.memory_space<vmem>> -> memref<128xi32, #tpu.memory_space<vmem>>
      %dma_start3A_125 = arith.constant 0 : i32
      %dma_start3A_126 = arith.constant 0 : i32
      %dma_start3A_127 = tpu.memref_slice %arg3[%dma_start3A_125, %dma_start3A_126] : memref<32768x64xf32, #tpu.memory_space<hbm>> -> memref<32768x64xf32, #tpu.memory_space<hbm>>
      tpu.enqueue_indirect_dma source(%dma_start3A_127 : memref<32768x64xf32, #tpu.memory_space<hbm>>) target(%dma_start3A_122 : memref<128x64xf32, #tpu.memory_space<vmem>>) offsets(%dma_start3A_124 : memref<128xi32, #tpu.memory_space<vmem>>) semaphore(%arg9 : memref<!tpu.dma_semaphore, #tpu.memory_space<semaphore_mem>>)
      %add3A_128 = arith.constant 256 : i32
      %add3A_129 = arith.addi %mul3A_101, %add3A_128 : i32
      %dma_start3A_130 = arith.constant 0 : i32
      %dma_start3A_131 = tpu.memref_slice %arg8[%add3A_129, %dma_start3A_130] : memref<1024x64xf32, #tpu.memory_space<vmem>> -> memref<128x64xf32, #tpu.memory_space<vmem>>
      %dma_start3A_132 = arith.constant 256 : i32
      %dma_start3A_133 = tpu.memref_slice %arg7[%dma_start3A_132] : memref<512xi32, #tpu.memory_space<vmem>> -> memref<128xi32, #tpu.memory_space<vmem>>
      %dma_start3A_134 = arith.constant 0 : i32
      %dma_start3A_135 = arith.constant 0 : i32
      %dma_start3A_136 = tpu.memref_slice %arg3[%dma_start3A_134, %dma_start3A_135] : memref<32768x64xf32, #tpu.memory_space<hbm>> -> memref<32768x64xf32, #tpu.memory_space<hbm>>
      tpu.enqueue_indirect_dma source(%dma_start3A_136 : memref<32768x64xf32, #tpu.memory_space<hbm>>) target(%dma_start3A_131 : memref<128x64xf32, #tpu.memory_space<vmem>>) offsets(%dma_start3A_133 : memref<128xi32, #tpu.memory_space<vmem>>) semaphore(%arg9 : memref<!tpu.dma_semaphore, #tpu.memory_space<semaphore_mem>>)
      %add3A_137 = arith.constant 384 : i32
      %add3A_138 = arith.addi %mul3A_101, %add3A_137 : i32
      %dma_start3A_139 = arith.constant 0 : i32
      %dma_start3A_140 = tpu.memref_slice %arg8[%add3A_138, %dma_start3A_139] : memref<1024x64xf32, #tpu.memory_space<vmem>> -> memref<128x64xf32, #tpu.memory_space<vmem>>
      %dma_start3A_141 = arith.constant 384 : i32
      %dma_start3A_142 = tpu.memref_slice %arg7[%dma_start3A_141] : memref<512xi32, #tpu.memory_space<vmem>> -> memref<128xi32, #tpu.memory_space<vmem>>
      %dma_start3A_143 = arith.constant 0 : i32
      %dma_start3A_144 = arith.constant 0 : i32
      %dma_start3A_145 = tpu.memref_slice %arg3[%dma_start3A_143, %dma_start3A_144] : memref<32768x64xf32, #tpu.memory_space<hbm>> -> memref<32768x64xf32, #tpu.memory_space<hbm>>
      tpu.enqueue_indirect_dma source(%dma_start3A_145 : memref<32768x64xf32, #tpu.memory_space<hbm>>) target(%dma_start3A_140 : memref<128x64xf32, #tpu.memory_space<vmem>>) offsets(%dma_start3A_142 : memref<128xi32, #tpu.memory_space<vmem>>) semaphore(%arg9 : memref<!tpu.dma_semaphore, #tpu.memory_space<semaphore_mem>>)
      %dma_wait3A_146 = arith.constant 0 : i32
      %dma_wait3A_147 = tpu.memref_slice %arg8[%add3A_112, %dma_wait3A_146] : memref<1024x64xf32, #tpu.memory_space<vmem>> -> memref<128x64xf32, #tpu.memory_space<vmem>>
      %dma_wait3A_148 = arith.constant 0 : i32
      %dma_wait3A_149 = tpu.memref_slice %arg7[%dma_wait3A_148] : memref<512xi32, #tpu.memory_space<vmem>> -> memref<128xi32, #tpu.memory_space<vmem>>
      %dma_wait3A_150 = arith.constant 0 : i32
      %dma_wait3A_151 = arith.constant 0 : i32
      %dma_wait3A_152 = tpu.memref_slice %arg3[%dma_wait3A_150, %dma_wait3A_151] : memref<32768x64xf32, #tpu.memory_space<hbm>> -> memref<32768x64xf32, #tpu.memory_space<hbm>>
      tpu.wait_indirect_dma semaphore(%arg9 : memref<!tpu.dma_semaphore, #tpu.memory_space<semaphore_mem>>) src(%dma_wait3A_152 : memref<32768x64xf32, #tpu.memory_space<hbm>>) dst(%dma_wait3A_147 : memref<128x64xf32, #tpu.memory_space<vmem>>)
      %dma_wait3A_153 = arith.constant 0 : i32
      %dma_wait3A_154 = tpu.memref_slice %arg8[%add3A_120, %dma_wait3A_153] : memref<1024x64xf32, #tpu.memory_space<vmem>> -> memref<128x64xf32, #tpu.memory_space<vmem>>
      %dma_wait3A_155 = arith.constant 128 : i32
      %dma_wait3A_156 = tpu.memref_slice %arg7[%dma_wait3A_155] : memref<512xi32, #tpu.memory_space<vmem>> -> memref<128xi32, #tpu.memory_space<vmem>>
      %dma_wait3A_157 = arith.constant 0 : i32
      %dma_wait3A_158 = arith.constant 0 : i32
      %dma_wait3A_159 = tpu.memref_slice %arg3[%dma_wait3A_157, %dma_wait3A_158] : memref<32768x64xf32, #tpu.memory_space<hbm>> -> memref<32768x64xf32, #tpu.memory_space<hbm>>
      tpu.wait_indirect_dma semaphore(%arg9 : memref<!tpu.dma_semaphore, #tpu.memory_space<semaphore_mem>>) src(%dma_wait3A_159 : memref<32768x64xf32, #tpu.memory_space<hbm>>) dst(%dma_wait3A_154 : memref<128x64xf32, #tpu.memory_space<vmem>>)
      %dma_wait3A_160 = arith.constant 0 : i32
      %dma_wait3A_161 = tpu.memref_slice %arg8[%add3A_129, %dma_wait3A_160] : memref<1024x64xf32, #tpu.memory_space<vmem>> -> memref<128x64xf32, #tpu.memory_space<vmem>>
      %dma_wait3A_162 = arith.constant 256 : i32
      %dma_wait3A_163 = tpu.memref_slice %arg7[%dma_wait3A_162] : memref<512xi32, #tpu.memory_space<vmem>> -> memref<128xi32, #tpu.memory_space<vmem>>
      %dma_wait3A_164 = arith.constant 0 : i32
      %dma_wait3A_165 = arith.constant 0 : i32
      %dma_wait3A_166 = tpu.memref_slice %arg3[%dma_wait3A_164, %dma_wait3A_165] : memref<32768x64xf32, #tpu.memory_space<hbm>> -> memref<32768x64xf32, #tpu.memory_space<hbm>>
      tpu.wait_indirect_dma semaphore(%arg9 : memref<!tpu.dma_semaphore, #tpu.memory_space<semaphore_mem>>) src(%dma_wait3A_166 : memref<32768x64xf32, #tpu.memory_space<hbm>>) dst(%dma_wait3A_161 : memref<128x64xf32, #tpu.memory_space<vmem>>)
      %dma_wait3A_167 = arith.constant 0 : i32
      %dma_wait3A_168 = tpu.memref_slice %arg8[%add3A_138, %dma_wait3A_167] : memref<1024x64xf32, #tpu.memory_space<vmem>> -> memref<128x64xf32, #tpu.memory_space<vmem>>
      %dma_wait3A_169 = arith.constant 384 : i32
      %dma_wait3A_170 = tpu.memref_slice %arg7[%dma_wait3A_169] : memref<512xi32, #tpu.memory_space<vmem>> -> memref<128xi32, #tpu.memory_space<vmem>>
      %dma_wait3A_171 = arith.constant 0 : i32
      %dma_wait3A_172 = arith.constant 0 : i32
      %dma_wait3A_173 = tpu.memref_slice %arg3[%dma_wait3A_171, %dma_wait3A_172] : memref<32768x64xf32, #tpu.memory_space<hbm>> -> memref<32768x64xf32, #tpu.memory_space<hbm>>
      tpu.wait_indirect_dma semaphore(%arg9 : memref<!tpu.dma_semaphore, #tpu.memory_space<semaphore_mem>>) src(%dma_wait3A_173 : memref<32768x64xf32, #tpu.memory_space<hbm>>) dst(%dma_wait3A_168 : memref<128x64xf32, #tpu.memory_space<vmem>>)
      %mul3A_174 = arith.constant 1024 : i32
      %mul3A_175 = arith.muli %select_n3A, %mul3A_174 : i32
      %add3A_176 = arith.addi %mul3A_175, %mul3A_32 : i32
      %mul3A_177 = arith.constant 16 : i32
      %mul3A_178 = arith.muli %scan3A_74, %mul3A_177 : i32
      %add3A_179 = arith.addi %add3A_176, %mul3A_178 : i32
      %mul3A_180 = arith.constant 32 : i32
      %mul3A_181 = arith.muli %add3A_179, %mul3A_180 : i32
      %dma_start3A_182 = arith.constant 0 : i32
      %dma_start3A_183 = tpu.memref_slice %arg8[%mul3A_101, %dma_start3A_182] : memref<1024x64xf32, #tpu.memory_space<vmem>> -> memref<512x64xf32, #tpu.memory_space<vmem>>
      %dma_start3A_184 = arith.constant 0 : i32
      %dma_start3A_185 = tpu.memref_slice %arg4[%mul3A_181, %dma_start3A_184] : memref<131072x64xf32, #tpu.memory_space<hbm>> -> memref<512x64xf32, #tpu.memory_space<hbm>>
      %dma_start3A_186 = arith.constant 0 : i32
      %dma_start3A_187 = tpu.memref_slice %arg4[%mul3A_181, %dma_start3A_186] : memref<131072x64xf32, #tpu.memory_space<hbm>> -> memref<512x64xf32, #tpu.memory_space<hbm>>
      %dma_start3A_188 = arith.constant 0 : i32
      %dma_start3A_189 = tpu.memref_slice %arg8[%mul3A_101, %dma_start3A_188] : memref<1024x64xf32, #tpu.memory_space<vmem>> -> memref<512x64xf32, #tpu.memory_space<vmem>>
      tpu.enqueue_dma source(%dma_start3A_189 : memref<512x64xf32, #tpu.memory_space<vmem>>) target(%dma_start3A_187 : memref<512x64xf32, #tpu.memory_space<hbm>>) target_semaphore(%arg10 : memref<!tpu.dma_semaphore, #tpu.memory_space<semaphore_mem>>)
      %scan3A_190 = arith.constant 0 : i32
      scf.yield %scan3A_190 : i32
    }
    %scan3A_40 = arith.constant 8 : i32
    %mul3A_41 = arith.constant 1024 : i32
    %mul3A_42 = arith.muli %select_n3A, %mul3A_41 : i32
    %add3A_43 = arith.addi %mul3A_42, %mul3A_32 : i32
    %add3A_44 = arith.constant 96 : i32
    %add3A_45 = arith.addi %add3A_43, %add3A_44 : i32
    %mul3A_46 = arith.constant 32 : i32
    %mul3A_47 = arith.muli %add3A_45, %mul3A_46 : i32
    %dma_wait3A = arith.constant 0 : i32
    %dma_wait3A_48 = arith.constant 0 : i32
    %dma_wait3A_49 = tpu.memref_slice %arg8[%dma_wait3A, %dma_wait3A_48] : memref<1024x64xf32, #tpu.memory_space<vmem>> -> memref<512x64xf32, #tpu.memory_space<vmem>>
    %dma_wait3A_50 = arith.constant 0 : i32
    %dma_wait3A_51 = tpu.memref_slice %arg4[%mul3A_47, %dma_wait3A_50] : memref<131072x64xf32, #tpu.memory_space<hbm>> -> memref<512x64xf32, #tpu.memory_space<hbm>>
    %dma_wait3A_52 = arith.constant 0 : i32
    %dma_wait3A_53 = tpu.memref_slice %arg4[%mul3A_47, %dma_wait3A_52] : memref<131072x64xf32, #tpu.memory_space<hbm>> -> memref<512x64xf32, #tpu.memory_space<hbm>>
    %dma_wait3A_54 = arith.constant 0 : i32
    %dma_wait3A_55 = arith.constant 0 : i32
    %dma_wait3A_56 = tpu.memref_slice %arg8[%dma_wait3A_54, %dma_wait3A_55] : memref<1024x64xf32, #tpu.memory_space<vmem>> -> memref<512x64xf32, #tpu.memory_space<vmem>>
    tpu.wait_dma2 semaphore(%arg10 : memref<!tpu.dma_semaphore, #tpu.memory_space<semaphore_mem>>) src(%dma_wait3A_56 : memref<512x64xf32, #tpu.memory_space<vmem>>) dst(%dma_wait3A_53 : memref<512x64xf32, #tpu.memory_space<hbm>>)
    %mul3A_57 = arith.constant 1024 : i32
    %mul3A_58 = arith.muli %select_n3A, %mul3A_57 : i32
    %add3A_59 = arith.addi %mul3A_58, %mul3A_32 : i32
    %add3A_60 = arith.constant 112 : i32
    %add3A_61 = arith.addi %add3A_59, %add3A_60 : i32
    %mul3A_62 = arith.constant 32 : i32
    %mul3A_63 = arith.muli %add3A_61, %mul3A_62 : i32
    %dma_wait3A_64 = arith.constant 512 : i32
    %dma_wait3A_65 = arith.constant 0 : i32
    %dma_wait3A_66 = tpu.memref_slice %arg8[%dma_wait3A_64, %dma_wait3A_65] : memref<1024x64xf32, #tpu.memory_space<vmem>> -> memref<512x64xf32, #tpu.memory_space<vmem>>
    %dma_wait3A_67 = arith.constant 0 : i32
    %dma_wait3A_68 = tpu.memref_slice %arg4[%mul3A_63, %dma_wait3A_67] : memref<131072x64xf32, #tpu.memory_space<hbm>> -> memref<512x64xf32, #tpu.memory_space<hbm>>
    %dma_wait3A_69 = arith.constant 0 : i32
    %dma_wait3A_70 = tpu.memref_slice %arg4[%mul3A_63, %dma_wait3A_69] : memref<131072x64xf32, #tpu.memory_space<hbm>> -> memref<512x64xf32, #tpu.memory_space<hbm>>
    %dma_wait3A_71 = arith.constant 512 : i32
    %dma_wait3A_72 = arith.constant 0 : i32
    %dma_wait3A_73 = tpu.memref_slice %arg8[%dma_wait3A_71, %dma_wait3A_72] : memref<1024x64xf32, #tpu.memory_space<vmem>> -> memref<512x64xf32, #tpu.memory_space<vmem>>
    tpu.wait_dma2 semaphore(%arg10 : memref<!tpu.dma_semaphore, #tpu.memory_space<semaphore_mem>>) src(%dma_wait3A_73 : memref<512x64xf32, #tpu.memory_space<vmem>>) dst(%dma_wait3A_70 : memref<512x64xf32, #tpu.memory_space<hbm>>)
    return
  }
}

module attributes {stable_mosaic.version = 14 : i64} {
  func.func @_fps_body(%arg0: memref<3x4x8x1024xf32, #tpu.memory_space<vmem>>, %arg1: memref<4x1024x8xf32, #tpu.memory_space<vmem>>, %arg2: memref<4x8x1024xf32, #tpu.memory_space<vmem>>) attributes {dimension_semantics = [], scalar_prefetch = 0 : i64, scratch_operands = 1 : i64, tpu.core_type = #tpu.core_type<tc>} {
    %get3A = arith.constant 0 : index
    %get3A_0 = arith.constant 0 : index
    %get3A_1 = arith.constant 0 : index
    %get3A_2 = arith.constant 0 : index
    %get3A_3 = vector.load %arg0[%get3A, %get3A_0, %get3A_1, %get3A_2] : memref<3x4x8x1024xf32, #tpu.memory_space<vmem>>, vector<1x4x8x1024xf32>
    %get3A_4 = vector.shape_cast %get3A_3 : vector<1x4x8x1024xf32> to vector<4x8x1024xf32>
    %get3A_5 = arith.constant 1 : index
    %get3A_6 = arith.constant 0 : index
    %get3A_7 = arith.constant 0 : index
    %get3A_8 = arith.constant 0 : index
    %get3A_9 = vector.load %arg0[%get3A_5, %get3A_6, %get3A_7, %get3A_8] : memref<3x4x8x1024xf32, #tpu.memory_space<vmem>>, vector<1x4x8x1024xf32>
    %get3A_10 = vector.shape_cast %get3A_9 : vector<1x4x8x1024xf32> to vector<4x8x1024xf32>
    %get3A_11 = arith.constant 2 : index
    %get3A_12 = arith.constant 0 : index
    %get3A_13 = arith.constant 0 : index
    %get3A_14 = arith.constant 0 : index
    %get3A_15 = vector.load %arg0[%get3A_11, %get3A_12, %get3A_13, %get3A_14] : memref<3x4x8x1024xf32, #tpu.memory_space<vmem>>, vector<1x4x8x1024xf32>
    %get3A_16 = vector.shape_cast %get3A_15 : vector<1x4x8x1024xf32> to vector<4x8x1024xf32>
    %broadcast_in_dim3A = arith.constant 1.000000e+10 : f32
    %broadcast_in_dim3A_17 = vector.broadcast %broadcast_in_dim3A : f32 to vector<4x8x1024xf32>
    %swap3A = arith.constant 0 : index
    %swap3A_18 = arith.constant 0 : index
    %swap3A_19 = arith.constant 0 : index
    %swap3A_20 = vector.load %arg2[%swap3A, %swap3A_18, %swap3A_19] : memref<4x8x1024xf32, #tpu.memory_space<vmem>>, vector<4x8x1024xf32>
    tpu.vector_store %arg2[%swap3A, %swap3A_18, %swap3A_19], %broadcast_in_dim3A_17 {strides = array<i32>} : memref<4x8x1024xf32, #tpu.memory_space<vmem>>, vector<4x8x1024xf32>,
    %iota3A = tpu.iota {dimensions = array<i32: 1>} : vector<4x8x1024xi32>
    %iota3A_21 = tpu.iota {dimensions = array<i32: 2>} : vector<4x8x1024xi32>
    %mul3A = arith.constant 1024 : i32
    %mul3A_22 = vector.broadcast %mul3A : i32 to vector<4x8x1024xi32>
    %mul3A_23 = arith.muli %iota3A, %mul3A_22 : vector<4x8x1024xi32>
    %add3A = arith.addi %mul3A_23, %iota3A_21 : vector<4x8x1024xi32>
    %iota3A_24 = tpu.iota {dimensions = array<i32: 2>} : vector<4x1x8xi32>
    %broadcast_in_dim3A_25 = arith.constant 0 : i32
    %broadcast_in_dim3A_26 = vector.broadcast %broadcast_in_dim3A_25 : i32 to vector<4x1x1xi32>
    %scan3A = arith.constant 0 : i32
    %scan3A_27 = arith.constant 1024 : i32
    %scan3A_28 = arith.addi %scan3A, %scan3A_27 : i32
    %scan3A_29 = arith.constant 1 : i32
    %scan3A_30 = scf.for %scan3A_32 = %scan3A to %scan3A_28 step %scan3A_29 iter_args(%scan3A_33 = %broadcast_in_dim3A_26) -> (vector<4x1x1xi32>)  : i32 {
      %eq3A = vector.broadcast %scan3A_33 : vector<4x1x1xi32> to vector<4x8x1024xi32>
      %eq3A_34 = arith.cmpi eq, %add3A, %eq3A : vector<4x8x1024xi32>
      %jit3A = arith.constant 0.000000e+00 : f32
      %broadcast_in_dim3A_35 = vector.broadcast %jit3A : f32 to vector<4x8x1024xf32>
      %select_n3A = arith.select %eq3A_34, %get3A_4, %broadcast_in_dim3A_35 : vector<4x8x1024xi1>, vector<4x8x1024xf32>
      %reduce_sum3A = arith.constant dense<0.000000e+00> : vector<4xf32>
      %reduce_sum3A_36 = vector.multi_reduction <add>, %select_n3A, %reduce_sum3A [1, 2] : vector<4x8x1024xf32> to vector<4xf32>
      %broadcast_in_dim3A_37 = vector.shape_cast %reduce_sum3A_36 : vector<4xf32> to vector<4x1x1xf32>
      %jit3A_38 = arith.constant 0.000000e+00 : f32
      %broadcast_in_dim3A_39 = vector.broadcast %jit3A_38 : f32 to vector<4x8x1024xf32>
      %select_n3A_40 = arith.select %eq3A_34, %get3A_10, %broadcast_in_dim3A_39 : vector<4x8x1024xi1>, vector<4x8x1024xf32>
      %reduce_sum3A_41 = arith.constant dense<0.000000e+00> : vector<4xf32>
      %reduce_sum3A_42 = vector.multi_reduction <add>, %select_n3A_40, %reduce_sum3A_41 [1, 2] : vector<4x8x1024xf32> to vector<4xf32>
      %broadcast_in_dim3A_43 = vector.shape_cast %reduce_sum3A_42 : vector<4xf32> to vector<4x1x1xf32>
      %jit3A_44 = arith.constant 0.000000e+00 : f32
      %broadcast_in_dim3A_45 = vector.broadcast %jit3A_44 : f32 to vector<4x8x1024xf32>
      %select_n3A_46 = arith.select %eq3A_34, %get3A_16, %broadcast_in_dim3A_45 : vector<4x8x1024xi1>, vector<4x8x1024xf32>
      %reduce_sum3A_47 = arith.constant dense<0.000000e+00> : vector<4xf32>
      %reduce_sum3A_48 = vector.multi_reduction <add>, %select_n3A_46, %reduce_sum3A_47 [1, 2] : vector<4x8x1024xf32> to vector<4xf32>
      %broadcast_in_dim3A_49 = vector.shape_cast %reduce_sum3A_48 : vector<4xf32> to vector<4x1x1xf32>
      %eq3A_50 = arith.constant 0 : i32
      %eq3A_51 = vector.broadcast %eq3A_50 : i32 to vector<4x1x8xi32>
      %eq3A_52 = arith.cmpi eq, %iota3A_24, %eq3A_51 : vector<4x1x8xi32>
      %eq3A_53 = arith.constant 1 : i32
      %eq3A_54 = vector.broadcast %eq3A_53 : i32 to vector<4x1x8xi32>
      %eq3A_55 = arith.cmpi eq, %iota3A_24, %eq3A_54 : vector<4x1x8xi32>
      %broadcast_in_dim3A_56 = vector.shape_cast %broadcast_in_dim3A_43 : vector<4x1x1xf32> to vector<4x1x1xf32>
      %broadcast_in_dim3A_57 = vector.broadcast %broadcast_in_dim3A_56 : vector<4x1x1xf32> to vector<4x1x8xf32>
      %broadcast_in_dim3A_58 = vector.shape_cast %broadcast_in_dim3A_49 : vector<4x1x1xf32> to vector<4x1x1xf32>
      %broadcast_in_dim3A_59 = vector.broadcast %broadcast_in_dim3A_58 : vector<4x1x1xf32> to vector<4x1x8xf32>
      %select_n3A_60 = arith.select %eq3A_55, %broadcast_in_dim3A_57, %broadcast_in_dim3A_59 : vector<4x1x8xi1>, vector<4x1x8xf32>
      %broadcast_in_dim3A_61 = vector.shape_cast %broadcast_in_dim3A_37 : vector<4x1x1xf32> to vector<4x1x1xf32>
      %broadcast_in_dim3A_62 = vector.broadcast %broadcast_in_dim3A_61 : vector<4x1x1xf32> to vector<4x1x8xf32>
      %select_n3A_63 = arith.select %eq3A_52, %broadcast_in_dim3A_62, %select_n3A_60 : vector<4x1x8xi1>, vector<4x1x8xf32>
      %swap3A_64 = arith.constant 0 : index
      %swap3A_65 = arith.index_cast %scan3A_32 : i32 to index
      %swap3A_66 = arith.constant 0 : index
      %swap3A_67 = vector.load %arg1[%swap3A_64, %swap3A_65, %swap3A_66] : memref<4x1024x8xf32, #tpu.memory_space<vmem>>, vector<4x1x8xf32>
      tpu.vector_store %arg1[%swap3A_64, %swap3A_65, %swap3A_66], %select_n3A_63 {strides = array<i32>} : memref<4x1024x8xf32, #tpu.memory_space<vmem>>, vector<4x1x8xf32>,
      %sub3A = vector.broadcast %broadcast_in_dim3A_37 : vector<4x1x1xf32> to vector<4x8x1024xf32>
      %sub3A_68 = arith.subf %get3A_4, %sub3A : vector<4x8x1024xf32>
      %sub3A_69 = vector.broadcast %broadcast_in_dim3A_43 : vector<4x1x1xf32> to vector<4x8x1024xf32>
      %sub3A_70 = arith.subf %get3A_10, %sub3A_69 : vector<4x8x1024xf32>
      %sub3A_71 = vector.broadcast %broadcast_in_dim3A_49 : vector<4x1x1xf32> to vector<4x8x1024xf32>
      %sub3A_72 = arith.subf %get3A_16, %sub3A_71 : vector<4x8x1024xf32>
      %mul3A_73 = arith.mulf %sub3A_68, %sub3A_68 : vector<4x8x1024xf32>
      %mul3A_74 = arith.mulf %sub3A_70, %sub3A_70 : vector<4x8x1024xf32>
      %add3A_75 = arith.addf %mul3A_73, %mul3A_74 : vector<4x8x1024xf32>
      %mul3A_76 = arith.mulf %sub3A_72, %sub3A_72 : vector<4x8x1024xf32>
      %add3A_77 = arith.addf %add3A_75, %mul3A_76 : vector<4x8x1024xf32>
      %get3A_78 = arith.constant 0 : index
      %get3A_79 = arith.constant 0 : index
      %get3A_80 = arith.constant 0 : index
      %get3A_81 = vector.load %arg2[%get3A_78, %get3A_79, %get3A_80] : memref<4x8x1024xf32, #tpu.memory_space<vmem>>, vector<4x8x1024xf32>
      %min3A = arith.minimumf %get3A_81, %add3A_77 : vector<4x8x1024xf32>
      %swap3A_82 = arith.constant 0 : index
      %swap3A_83 = arith.constant 0 : index
      %swap3A_84 = arith.constant 0 : index
      %swap3A_85 = vector.load %arg2[%swap3A_82, %swap3A_83, %swap3A_84] : memref<4x8x1024xf32, #tpu.memory_space<vmem>>, vector<4x8x1024xf32>
      tpu.vector_store %arg2[%swap3A_82, %swap3A_83, %swap3A_84], %min3A {strides = array<i32>} : memref<4x8x1024xf32, #tpu.memory_space<vmem>>, vector<4x8x1024xf32>,
      %reduce_max3A = arith.constant dense<0xFF800000> : vector<4xf32>
      %reduce_max3A_86 = vector.multi_reduction <maximumf>, %min3A, %reduce_max3A [1, 2] : vector<4x8x1024xf32> to vector<4xf32>
      %broadcast_in_dim3A_87 = vector.shape_cast %reduce_max3A_86 : vector<4xf32> to vector<4x1x1xf32>
      %eq3A_88 = vector.broadcast %broadcast_in_dim3A_87 : vector<4x1x1xf32> to vector<4x8x1024xf32>
      %eq3A_89 = arith.cmpf oeq, %min3A, %eq3A_88 : vector<4x8x1024xf32>
      %jit3A_90 = arith.constant 8192 : i32
      %broadcast_in_dim3A_91 = vector.broadcast %jit3A_90 : i32 to vector<4x8x1024xi32>
      %select_n3A_92 = arith.select %eq3A_89, %add3A, %broadcast_in_dim3A_91 : vector<4x8x1024xi1>, vector<4x8x1024xi32>
      %reduce_min3A = arith.constant dense<2147483647> : vector<4xi32>
      %reduce_min3A_93 = vector.multi_reduction <minsi>, %select_n3A_92, %reduce_min3A [1, 2] : vector<4x8x1024xi32> to vector<4xi32>
      %broadcast_in_dim3A_94 = vector.shape_cast %reduce_min3A_93 : vector<4xi32> to vector<4x1x1xi32>
      scf.yield %broadcast_in_dim3A_94 : vector<4x1x1xi32>
    }
    %scan3A_31 = arith.constant 1024 : i32
    return
  }
}

module attributes {stable_mosaic.version = 14 : i64} {
  func.func @_k2_body(%arg0: i32, %arg1: i32, %arg2: memref<1x8x512xf32, #tpu.memory_space<vmem>>, %arg3: memref<1x64x512xf32, #tpu.memory_space<vmem>>, %arg4: memref<64x8xf32, #tpu.memory_space<vmem>>, %arg5: memref<64x64xf32, #tpu.memory_space<vmem>>, %arg6: memref<1x512x64xf32, #tpu.memory_space<vmem>>, %arg7: memref<1x1x512xf32, #tpu.memory_space<vmem>>) attributes {dimension_semantics = [#tpu.dimension_semantics<arbitrary>, #tpu.dimension_semantics<arbitrary>], iteration_bounds = array<i64: 4, 16>, scalar_prefetch = 0 : i64, scratch_operands = 0 : i64, tpu.core_type = #tpu.core_type<tc>, window_params = [{transform_indices = @transform_0, window_bounds = array<i64: 1, 8, 512>}, {transform_indices = @transform_1, window_bounds = array<i64: 1, 64, 512>}, {pipeline_mode = #tpu.pipeline_mode<synchronous>, transform_indices = @transform_2, window_bounds = array<i64: 64, 8>}, {pipeline_mode = #tpu.pipeline_mode<synchronous>, transform_indices = @transform_3, window_bounds = array<i64: 64, 64>}, {transform_indices = @transform_4, window_bounds = array<i64: 1, 512, 64>}, {transform_indices = @transform_5, window_bounds = array<i64: 1, 1, 512>}]} {
    %get3A = arith.constant 0 : index
    %get3A_0 = arith.constant 0 : index
    %get3A_1 = arith.constant 0 : index
    %get3A_2 = vector.load %arg2[%get3A, %get3A_0, %get3A_1] : memref<1x8x512xf32, #tpu.memory_space<vmem>>, vector<1x8x512xf32>
    %get3A_3 = vector.shape_cast %get3A_2 : vector<1x8x512xf32> to vector<8x512xf32>
    %get3A_4 = arith.constant 0 : index
    %get3A_5 = arith.constant 0 : index
    %get3A_6 = arith.constant 0 : index
    %get3A_7 = vector.load %arg3[%get3A_4, %get3A_5, %get3A_6] : memref<1x64x512xf32, #tpu.memory_space<vmem>>, vector<1x64x512xf32>
    %get3A_8 = vector.shape_cast %get3A_7 : vector<1x64x512xf32> to vector<64x512xf32>
    %get3A_9 = arith.constant 0 : index
    %get3A_10 = arith.constant 0 : index
    %get3A_11 = vector.load %arg4[%get3A_9, %get3A_10] : memref<64x8xf32, #tpu.memory_space<vmem>>, vector<64x8xf32>
    %dot_general3A = arith.constant dense<0.000000e+00> : vector<512x64xf32>
    %dot_general3A_12 = tpu.matmul %get3A_3, %get3A_11, %dot_general3A {dimension_numbers = #tpu.dot_dimension_numbers<[0], [1], [1], [0], [0, 1, 1, 0], [], []>, transpose_lhs_hint = false} : vector<8x512xf32>, vector<64x8xf32>, vector<512x64xf32> -> vector<512x64xf32>
    %get3A_13 = arith.constant 0 : index
    %get3A_14 = arith.constant 0 : index
    %get3A_15 = vector.load %arg5[%get3A_13, %get3A_14] : memref<64x64xf32, #tpu.memory_space<vmem>>, vector<64x64xf32>
    %dot_general3A_16 = arith.constant dense<0.000000e+00> : vector<512x64xf32>
    %dot_general3A_17 = tpu.matmul %get3A_8, %get3A_15, %dot_general3A_16 {dimension_numbers = #tpu.dot_dimension_numbers<[0], [1], [1], [0], [0, 1, 1, 0], [], []>, transpose_lhs_hint = false} : vector<64x512xf32>, vector<64x64xf32>, vector<512x64xf32> -> vector<512x64xf32>
    %add3A = arith.addf %dot_general3A_12, %dot_general3A_17 : vector<512x64xf32>
    %swap3A = arith.constant 0 : index
    %swap3A_18 = arith.constant 0 : index
    %swap3A_19 = arith.constant 0 : index
    %swap3A_20 = vector.load %arg6[%swap3A, %swap3A_18, %swap3A_19] : memref<1x512x64xf32, #tpu.memory_space<vmem>>, vector<1x512x64xf32>
    %swap3A_21 = vector.shape_cast %swap3A_20 : vector<1x512x64xf32> to vector<512x64xf32>
    %swap3A_22 = vector.shape_cast %add3A : vector<512x64xf32> to vector<1x512x64xf32>
    tpu.vector_store %arg6[%swap3A, %swap3A_18, %swap3A_19], %swap3A_22 {strides = array<i32>} : memref<1x512x64xf32, #tpu.memory_space<vmem>>, vector<1x512x64xf32>,
    %mul3A = arith.mulf %get3A_3, %get3A_3 : vector<8x512xf32>
    %reduce_sum3A = arith.constant dense<0.000000e+00> : vector<512xf32>
    %reduce_sum3A_23 = vector.multi_reduction <add>, %mul3A, %reduce_sum3A [0] : vector<8x512xf32> to vector<512xf32>
    %broadcast_in_dim3A = vector.shape_cast %reduce_sum3A_23 : vector<512xf32> to vector<1x512xf32>
    %swap3A_24 = arith.constant 0 : index
    %swap3A_25 = arith.constant 0 : index
    %swap3A_26 = arith.constant 0 : index
    %swap3A_27 = vector.load %arg7[%swap3A_24, %swap3A_25, %swap3A_26] : memref<1x1x512xf32, #tpu.memory_space<vmem>>, vector<1x1x512xf32>
    %swap3A_28 = vector.shape_cast %swap3A_27 : vector<1x1x512xf32> to vector<1x512xf32>
    %swap3A_29 = vector.shape_cast %broadcast_in_dim3A : vector<1x512xf32> to vector<1x1x512xf32>
    tpu.vector_store %arg7[%swap3A_24, %swap3A_25, %swap3A_26], %swap3A_29 {strides = array<i32>} : memref<1x1x512xf32, #tpu.memory_space<vmem>>, vector<1x1x512xf32>,
    return
  }
  func.func @transform_0(%arg0: i32, %arg1: i32) -> (i32, i32, i32) {
    %c0_i32 = arith.constant 0 : i32
    %c0_i32_0 = arith.constant 0 : i32
    return %arg0, %c0_i32, %arg1 : i32, i32, i32
  }
  func.func @transform_1(%arg0: i32, %arg1: i32) -> (i32, i32, i32) {
    %c0_i32 = arith.constant 0 : i32
    %c0_i32_0 = arith.constant 0 : i32
    return %arg0, %c0_i32, %arg1 : i32, i32, i32
  }
  func.func @transform_2(%arg0: i32, %arg1: i32) -> (i32, i32) {
    %c0_i32 = arith.constant 0 : i32
    %c0_i32_0 = arith.constant 0 : i32
    %c0_i32_1 = arith.constant 0 : i32
    return %c0_i32, %c0_i32_0 : i32, i32
  }
  func.func @transform_3(%arg0: i32, %arg1: i32) -> (i32, i32) {
    %c0_i32 = arith.constant 0 : i32
    %c0_i32_0 = arith.constant 0 : i32
    %c0_i32_1 = arith.constant 0 : i32
    return %c0_i32, %c0_i32_0 : i32, i32
  }
  func.func @transform_4(%arg0: i32, %arg1: i32) -> (i32, i32, i32) {
    %c0_i32 = arith.constant 0 : i32
    %c0_i32_0 = arith.constant 0 : i32
    return %arg0, %arg1, %c0_i32 : i32, i32, i32
  }
  func.func @transform_5(%arg0: i32, %arg1: i32) -> (i32, i32, i32) {
    %c0_i32 = arith.constant 0 : i32
    %c0_i32_0 = arith.constant 0 : i32
    return %arg0, %c0_i32, %arg1 : i32, i32, i32
  }
}

module attributes {stable_mosaic.version = 14 : i64} {
  func.func @_k2b_body(%arg0: i32, %arg1: i32, %arg2: i32, %arg3: memref<1x256x8xf32, #tpu.memory_space<vmem>>, %arg4: memref<1x8x2048xf32, #tpu.memory_space<vmem>>, %arg5: memref<1x1x2048xf32, #tpu.memory_space<vmem>>, %arg6: memref<2048x128xf32, #tpu.memory_space<vmem>>, %arg7: memref<1x256x128xi32, #tpu.memory_space<vmem>>) attributes {dimension_semantics = [#tpu.dimension_semantics<arbitrary>, #tpu.dimension_semantics<arbitrary>, #tpu.dimension_semantics<arbitrary>], iteration_bounds = array<i64: 4, 4, 4>, scalar_prefetch = 0 : i64, scratch_operands = 0 : i64, tpu.core_type = #tpu.core_type<tc>, window_params = [{transform_indices = @transform_0, window_bounds = array<i64: 1, 256, 8>}, {transform_indices = @transform_1, window_bounds = array<i64: 1, 8, 2048>}, {transform_indices = @transform_2, window_bounds = array<i64: 1, 1, 2048>}, {pipeline_mode = #tpu.pipeline_mode<synchronous>, transform_indices = @transform_3, window_bounds = array<i64: 2048, 128>}, {transform_indices = @transform_4, window_bounds = array<i64: 1, 256, 128>}]} {
    %get3A = arith.constant 0 : index
    %get3A_0 = arith.constant 0 : index
    %get3A_1 = arith.constant 0 : index
    %get3A_2 = vector.load %arg3[%get3A, %get3A_0, %get3A_1] : memref<1x256x8xf32, #tpu.memory_space<vmem>>, vector<1x256x8xf32>
    %get3A_3 = vector.shape_cast %get3A_2 : vector<1x256x8xf32> to vector<256x8xf32>
    %slice3A = vector.extract_strided_slice %get3A_3 {offsets = [0, 0], sizes = [256, 1], strides = [1, 1]} : vector<256x8xf32> to vector<256x1xf32>
    %slice3A_4 = vector.extract_strided_slice %get3A_3 {offsets = [0, 1], sizes = [256, 1], strides = [1, 1]} : vector<256x8xf32> to vector<256x1xf32>
    %slice3A_5 = vector.extract_strided_slice %get3A_3 {offsets = [0, 2], sizes = [256, 1], strides = [1, 1]} : vector<256x8xf32> to vector<256x1xf32>
    %mul3A = arith.mulf %slice3A, %slice3A : vector<256x1xf32>
    %mul3A_6 = arith.mulf %slice3A_4, %slice3A_4 : vector<256x1xf32>
    %add3A = arith.addf %mul3A, %mul3A_6 : vector<256x1xf32>
    %mul3A_7 = arith.mulf %slice3A_5, %slice3A_5 : vector<256x1xf32>
    %add3A_8 = arith.addf %add3A, %mul3A_7 : vector<256x1xf32>
    %get3A_9 = arith.constant 0 : index
    %get3A_10 = arith.constant 0 : index
    %get3A_11 = arith.constant 0 : index
    %get3A_12 = vector.load %arg4[%get3A_9, %get3A_10, %get3A_11] : memref<1x8x2048xf32, #tpu.memory_space<vmem>>, vector<1x8x2048xf32>
    %get3A_13 = vector.shape_cast %get3A_12 : vector<1x8x2048xf32> to vector<8x2048xf32>
    %slice3A_14 = vector.extract_strided_slice %get3A_13 {offsets = [0, 0], sizes = [1, 2048], strides = [1, 1]} : vector<8x2048xf32> to vector<1x2048xf32>
    %slice3A_15 = vector.extract_strided_slice %get3A_13 {offsets = [1, 0], sizes = [1, 2048], strides = [1, 1]} : vector<8x2048xf32> to vector<1x2048xf32>
    %slice3A_16 = vector.extract_strided_slice %get3A_13 {offsets = [2, 0], sizes = [1, 2048], strides = [1, 1]} : vector<8x2048xf32> to vector<1x2048xf32>
    %mul3A_17 = vector.broadcast %slice3A : vector<256x1xf32> to vector<256x2048xf32>
    %mul3A_18 = vector.broadcast %slice3A_14 : vector<1x2048xf32> to vector<256x2048xf32>
    %mul3A_19 = arith.mulf %mul3A_17, %mul3A_18 : vector<256x2048xf32>
    %mul3A_20 = vector.broadcast %slice3A_4 : vector<256x1xf32> to vector<256x2048xf32>
    %mul3A_21 = vector.broadcast %slice3A_15 : vector<1x2048xf32> to vector<256x2048xf32>
    %mul3A_22 = arith.mulf %mul3A_20, %mul3A_21 : vector<256x2048xf32>
    %add3A_23 = arith.addf %mul3A_19, %mul3A_22 : vector<256x2048xf32>
    %mul3A_24 = vector.broadcast %slice3A_5 : vector<256x1xf32> to vector<256x2048xf32>
    %mul3A_25 = vector.broadcast %slice3A_16 : vector<1x2048xf32> to vector<256x2048xf32>
    %mul3A_26 = arith.mulf %mul3A_24, %mul3A_25 : vector<256x2048xf32>
    %add3A_27 = arith.addf %add3A_23, %mul3A_26 : vector<256x2048xf32>
    %get3A_28 = arith.constant 0 : index
    %get3A_29 = arith.constant 0 : index
    %get3A_30 = arith.constant 0 : index
    %get3A_31 = vector.load %arg5[%get3A_28, %get3A_29, %get3A_30] : memref<1x1x2048xf32, #tpu.memory_space<vmem>>, vector<1x1x2048xf32>
    %get3A_32 = vector.shape_cast %get3A_31 : vector<1x1x2048xf32> to vector<1x2048xf32>
    %add3A_33 = vector.broadcast %add3A_8 : vector<256x1xf32> to vector<256x2048xf32>
    %add3A_34 = vector.broadcast %get3A_32 : vector<1x2048xf32> to vector<256x2048xf32>
    %add3A_35 = arith.addf %add3A_33, %add3A_34 : vector<256x2048xf32>
    %mul3A_36 = arith.constant 2.000000e+00 : f32
    %mul3A_37 = vector.broadcast %mul3A_36 : f32 to vector<256x2048xf32>
    %mul3A_38 = arith.mulf %mul3A_37, %add3A_27 : vector<256x2048xf32>
    %sub3A = arith.subf %add3A_35, %mul3A_38 : vector<256x2048xf32>
    %le3A = arith.constant 1.600000e-01 : f32
    %le3A_39 = vector.broadcast %le3A : f32 to vector<256x2048xf32>
    %le3A_40 = arith.cmpf ole, %sub3A, %le3A_39 : vector<256x2048xf32>
    %jit3A = arith.constant 1.000000e+00 : f32
    %jit3A_41 = arith.constant 0.000000e+00 : f32
    %broadcast_in_dim3A = vector.broadcast %jit3A : f32 to vector<256x2048xf32>
    %broadcast_in_dim3A_42 = vector.broadcast %jit3A_41 : f32 to vector<256x2048xf32>
    %select_n3A = arith.select %le3A_40, %broadcast_in_dim3A, %broadcast_in_dim3A_42 : vector<256x2048xi1>, vector<256x2048xf32>
    %get3A_43 = arith.constant 0 : index
    %get3A_44 = arith.constant 0 : index
    %get3A_45 = vector.load %arg6[%get3A_43, %get3A_44] : memref<2048x128xf32, #tpu.memory_space<vmem>>, vector<2048x128xf32>
    %dot_general3A = arith.constant dense<0.000000e+00> : vector<256x128xf32>
    %dot_general3A_46 = tpu.matmul %select_n3A, %get3A_45, %dot_general3A {dimension_numbers = #tpu.dot_dimension_numbers<[1], [0], [0], [1], [0, 0, 1, 1], [], []>, transpose_lhs_hint = false} : vector<256x2048xf32>, vector<2048x128xf32>, vector<256x128xf32> -> vector<256x128xf32>
    %convert_element_type3A = arith.fptosi %dot_general3A_46 : vector<256x128xf32> to vector<256x128xi32>
    %swap3A = arith.constant 0 : index
    %swap3A_47 = arith.constant 0 : index
    %swap3A_48 = arith.constant 0 : index
    %swap3A_49 = vector.load %arg7[%swap3A, %swap3A_47, %swap3A_48] : memref<1x256x128xi32, #tpu.memory_space<vmem>>, vector<1x256x128xi32>
    %swap3A_50 = vector.shape_cast %swap3A_49 : vector<1x256x128xi32> to vector<256x128xi32>
    %swap3A_51 = vector.shape_cast %convert_element_type3A : vector<256x128xi32> to vector<1x256x128xi32>
    tpu.vector_store %arg7[%swap3A, %swap3A_47, %swap3A_48], %swap3A_51 {strides = array<i32>} : memref<1x256x128xi32, #tpu.memory_space<vmem>>, vector<1x256x128xi32>,
    return
  }
  func.func @transform_0(%arg0: i32, %arg1: i32, %arg2: i32) -> (i32, i32, i32) {
    %c0_i32 = arith.constant 0 : i32
    %c0_i32_0 = arith.constant 0 : i32
    return %arg0, %arg1, %c0_i32 : i32, i32, i32
  }
  func.func @transform_1(%arg0: i32, %arg1: i32, %arg2: i32) -> (i32, i32, i32) {
    %c0_i32 = arith.constant 0 : i32
    %c0_i32_0 = arith.constant 0 : i32
    return %arg0, %c0_i32, %arg2 : i32, i32, i32
  }
  func.func @transform_2(%arg0: i32, %arg1: i32, %arg2: i32) -> (i32, i32, i32) {
    %c0_i32 = arith.constant 0 : i32
    %c0_i32_0 = arith.constant 0 : i32
    return %arg0, %c0_i32, %arg2 : i32, i32, i32
  }
  func.func @transform_3(%arg0: i32, %arg1: i32, %arg2: i32) -> (i32, i32) {
    %c0_i32 = arith.constant 0 : i32
    %c0_i32_0 = arith.constant 0 : i32
    %c0_i32_1 = arith.constant 0 : i32
    return %c0_i32, %c0_i32_0 : i32, i32
  }
  func.func @transform_4(%arg0: i32, %arg1: i32, %arg2: i32) -> (i32, i32, i32) {
    %c0_i32 = arith.constant 0 : i32
    return %arg0, %arg1, %arg2 : i32, i32, i32
  }
}

module attributes {stable_mosaic.version = 14 : i64} {
  func.func @_k4_body(%arg0: i32, %arg1: i32, %arg2: memref<1024x128xf32, #tpu.memory_space<vmem>>, %arg3: memref<1x64x8xf32, #tpu.memory_space<vmem>>, %arg4: memref<64x8xf32, #tpu.memory_space<vmem>>, %arg5: memref<1x64xf32, #tpu.memory_space<vmem>>, %arg6: memref<128x256xf32, #tpu.memory_space<vmem>>, %arg7: memref<1x256xf32, #tpu.memory_space<vmem>>, %arg8: memref<1x64x128xf32, #tpu.memory_space<vmem>>) attributes {dimension_semantics = [#tpu.dimension_semantics<arbitrary>, #tpu.dimension_semantics<arbitrary>], iteration_bounds = array<i64: 4, 16>, scalar_prefetch = 0 : i64, scratch_operands = 0 : i64, tpu.core_type = #tpu.core_type<tc>, window_params = [{transform_indices = @transform_0, window_bounds = array<i64: 1024, 128>}, {transform_indices = @transform_1, window_bounds = array<i64: 1, 64, 8>}, {pipeline_mode = #tpu.pipeline_mode<synchronous>, transform_indices = @transform_2, window_bounds = array<i64: 64, 8>}, {pipeline_mode = #tpu.pipeline_mode<synchronous>, transform_indices = @transform_3, window_bounds = array<i64: 1, 64>}, {pipeline_mode = #tpu.pipeline_mode<synchronous>, transform_indices = @transform_4, window_bounds = array<i64: 128, 256>}, {pipeline_mode = #tpu.pipeline_mode<synchronous>, transform_indices = @transform_5, window_bounds = array<i64: 1, 256>}, {transform_indices = @transform_6, window_bounds = array<i64: 1, 64, 128>}]} {
    %get3A = arith.constant 0 : index
    %get3A_0 = arith.constant 0 : index
    %get3A_1 = vector.load %arg2[%get3A, %get3A_0] : memref<1024x128xf32, #tpu.memory_space<vmem>>, vector<1024x128xf32>
    %get3A_2 = arith.constant 0 : index
    %get3A_3 = arith.constant 0 : index
    %get3A_4 = arith.constant 0 : index
    %get3A_5 = vector.load %arg3[%get3A_2, %get3A_3, %get3A_4] : memref<1x64x8xf32, #tpu.memory_space<vmem>>, vector<1x64x8xf32>
    %get3A_6 = vector.shape_cast %get3A_5 : vector<1x64x8xf32> to vector<64x8xf32>
    %get3A_7 = arith.constant 0 : index
    %get3A_8 = arith.constant 0 : index
    %get3A_9 = vector.load %arg4[%get3A_7, %get3A_8] : memref<64x8xf32, #tpu.memory_space<vmem>>, vector<64x8xf32>
    %dot_general3A = arith.constant dense<0.000000e+00> : vector<64x64xf32>
    %dot_general3A_10 = tpu.matmul %get3A_6, %get3A_9, %dot_general3A {dimension_numbers = #tpu.dot_dimension_numbers<[1], [1], [0], [0], [0, 0, 1, 0], [], []>, transpose_lhs_hint = false} : vector<64x8xf32>, vector<64x8xf32>, vector<64x64xf32> -> vector<64x64xf32>
    %concatenate3A = tpu.concatenate %dot_general3A_10, %dot_general3A_10 in 1 : vector<64x64xf32>, vector<64x64xf32> -> vector<64x128xf32>
    %get3A_11 = arith.constant 0 : index
    %get3A_12 = arith.constant 0 : index
    %get3A_13 = vector.load %arg5[%get3A_11, %get3A_12] : memref<1x64xf32, #tpu.memory_space<vmem>>, vector<1x64xf32>
    %get3A_14 = arith.constant 0 : index
    %get3A_15 = arith.constant 0 : index
    %get3A_16 = vector.load %arg5[%get3A_14, %get3A_15] : memref<1x64xf32, #tpu.memory_space<vmem>>, vector<1x64xf32>
    %concatenate3A_17 = tpu.concatenate %get3A_13, %get3A_16 in 1 : vector<1x64xf32>, vector<1x64xf32> -> vector<1x128xf32>
    %reshape3A = vector.shape_cast %get3A_1 : vector<1024x128xf32> to vector<64x16x128xf32>
    %broadcast_in_dim3A = vector.shape_cast %concatenate3A : vector<64x128xf32> to vector<64x1x128xf32>
    %sub3A = vector.broadcast %broadcast_in_dim3A : vector<64x1x128xf32> to vector<64x16x128xf32>
    %sub3A_18 = arith.subf %reshape3A, %sub3A : vector<64x16x128xf32>
    %broadcast_in_dim3A_19 = vector.shape_cast %concatenate3A_17 : vector<1x128xf32> to vector<1x1x128xf32>
    %add3A = vector.broadcast %broadcast_in_dim3A_19 : vector<1x1x128xf32> to vector<64x16x128xf32>
    %add3A_20 = arith.addf %sub3A_18, %add3A : vector<64x16x128xf32>
    %max3A = arith.constant 0.000000e+00 : f32
    %max3A_21 = vector.broadcast %max3A : f32 to vector<64x16x128xf32>
    %max3A_22 = arith.maximumf %add3A_20, %max3A_21 : vector<64x16x128xf32>
    %reshape3A_23 = vector.shape_cast %max3A_22 : vector<64x16x128xf32> to vector<1024x128xf32>
    %get3A_24 = arith.constant 0 : index
    %get3A_25 = arith.constant 0 : index
    %get3A_26 = vector.load %arg6[%get3A_24, %get3A_25] : memref<128x256xf32, #tpu.memory_space<vmem>>, vector<128x256xf32>
    %dot_general3A_27 = arith.constant dense<0.000000e+00> : vector<1024x256xf32>
    %dot_general3A_28 = tpu.matmul %reshape3A_23, %get3A_26, %dot_general3A_27 {dimension_numbers = #tpu.dot_dimension_numbers<[1], [0], [0], [1], [0, 0, 1, 1], [], []>, transpose_lhs_hint = false} : vector<1024x128xf32>, vector<128x256xf32>, vector<1024x256xf32> -> vector<1024x256xf32>
    %get3A_29 = arith.constant 0 : index
    %get3A_30 = arith.constant 0 : index
    %get3A_31 = vector.load %arg7[%get3A_29, %get3A_30] : memref<1x256xf32, #tpu.memory_space<vmem>>, vector<1x256xf32>
    %add3A_32 = vector.broadcast %get3A_31 : vector<1x256xf32> to vector<1024x256xf32>
    %add3A_33 = arith.addf %dot_general3A_28, %add3A_32 : vector<1024x256xf32>
    %max3A_34 = arith.constant 0.000000e+00 : f32
    %max3A_35 = vector.broadcast %max3A_34 : f32 to vector<1024x256xf32>
    %max3A_36 = arith.maximumf %add3A_33, %max3A_35 : vector<1024x256xf32>
    %reshape3A_37 = vector.shape_cast %max3A_36 : vector<1024x256xf32> to vector<64x16x256xf32>
    %reduce_max3A = arith.constant dense<0xFF800000> : vector<64x256xf32>
    %reduce_max3A_38 = vector.multi_reduction <maximumf>, %reshape3A_37, %reduce_max3A [1] : vector<64x16x256xf32> to vector<64x256xf32>
    %slice3A = vector.extract_strided_slice %reduce_max3A_38 {offsets = [0, 0], sizes = [64, 128], strides = [1, 1]} : vector<64x256xf32> to vector<64x128xf32>
    %slice3A_39 = vector.extract_strided_slice %reduce_max3A_38 {offsets = [0, 128], sizes = [64, 128], strides = [1, 1]} : vector<64x256xf32> to vector<64x128xf32>
    %max3A_40 = arith.maximumf %slice3A, %slice3A_39 : vector<64x128xf32>
    %swap3A = arith.constant 0 : index
    %swap3A_41 = arith.constant 0 : index
    %swap3A_42 = arith.constant 0 : index
    %swap3A_43 = vector.load %arg8[%swap3A, %swap3A_41, %swap3A_42] : memref<1x64x128xf32, #tpu.memory_space<vmem>>, vector<1x64x128xf32>
    %swap3A_44 = vector.shape_cast %swap3A_43 : vector<1x64x128xf32> to vector<64x128xf32>
    %swap3A_45 = vector.shape_cast %max3A_40 : vector<64x128xf32> to vector<1x64x128xf32>
    tpu.vector_store %arg8[%swap3A, %swap3A_41, %swap3A_42], %swap3A_45 {strides = array<i32>} : memref<1x64x128xf32, #tpu.memory_space<vmem>>, vector<1x64x128xf32>,
    return
  }
  func.func @transform_0(%arg0: i32, %arg1: i32) -> (i32, i32) {
    %mul3A = arith.constant 16 : i32
    %mul3A_0 = arith.muli %arg0, %mul3A : i32
    %add3A = arith.addi %mul3A_0, %arg1 : i32
    %c0_i32 = arith.constant 0 : i32
    %c0_i32_1 = arith.constant 0 : i32
    return %add3A, %c0_i32 : i32, i32
  }
  func.func @transform_1(%arg0: i32, %arg1: i32) -> (i32, i32, i32) {
    %c0_i32 = arith.constant 0 : i32
    %c0_i32_0 = arith.constant 0 : i32
    return %arg0, %arg1, %c0_i32 : i32, i32, i32
  }
  func.func @transform_2(%arg0: i32, %arg1: i32) -> (i32, i32) {
    %c0_i32 = arith.constant 0 : i32
    %c0_i32_0 = arith.constant 0 : i32
    %c0_i32_1 = arith.constant 0 : i32
    return %c0_i32, %c0_i32_0 : i32, i32
  }
  func.func @transform_3(%arg0: i32, %arg1: i32) -> (i32, i32) {
    %c0_i32 = arith.constant 0 : i32
    %c0_i32_0 = arith.constant 0 : i32
    %c0_i32_1 = arith.constant 0 : i32
    return %c0_i32, %c0_i32_0 : i32, i32
  }
  func.func @transform_4(%arg0: i32, %arg1: i32) -> (i32, i32) {
    %c0_i32 = arith.constant 0 : i32
    %c0_i32_0 = arith.constant 0 : i32
    %c0_i32_1 = arith.constant 0 : i32
    return %c0_i32, %c0_i32_0 : i32, i32
  }
  func.func @transform_5(%arg0: i32, %arg1: i32) -> (i32, i32) {
    %c0_i32 = arith.constant 0 : i32
    %c0_i32_0 = arith.constant 0 : i32
    %c0_i32_1 = arith.constant 0 : i32
    return %c0_i32, %c0_i32_0 : i32, i32
  }
  func.func @transform_6(%arg0: i32, %arg1: i32) -> (i32, i32, i32) {
    %c0_i32 = arith.constant 0 : i32
    %c0_i32_0 = arith.constant 0 : i32
    return %arg0, %arg1, %c0_i32 : i32, i32, i32
  }
}

</mosaic_0001>

<sc_bundles>
// kernel: kernel.7.cloned.1.call-start
scs
__scs_entry_jumppad:
0x0: {  	(pc) =	sbr.rel $0x88, $3  }
0x1: {  	(tag) =	ssettag $0x0;
	lr =	simm.s32 $0x1  }
0x2: {  	[smem:$0x3F9B] =	sst lr;
	_ =	strace $0xD0000000  }
0x3: {  	_ = 	snop  }
0x4: {  	_ = 	snop  }
0x5: {  	_ = 	snop  }
0x6: {  	_ = 	snop  }
0x7: {  	_ = 	snop  }
__scs_overlays_trampoline_lowered:
0x8: {  	[smem:$0x3FAA] =	sst s0  }
0x9: {  	[smem:$0x3FAB] =	sst s1  }
0xa: {  	[smem:$0x3FAC] =	sst s2  }
0xb: {  	[smem:$0x3FAD] =	sst s3  }
0xc: {  	[smem:$0x3FAE] =	sst s4  }
0xd: {  	[smem:$0x3FAF] =	sst s5  }
0xe: {  	[smem:$0x3FB0] =	sst s6  }
0xf: {  	[smem:$0x3FB1] =	sst s7  }
0x10: {  	[smem:$0x3FB2] =	sst s8  }
0x11: {  	[smem:$0x3FB3] =	sst s9;
	s0 =	simm.s32 @!p0 $0x0  }
0x12: {  	s1 =	sld [smem:$0x3F99];
	s0 =	simm.s32 @p0 $0x1  }
0x13: {  	[smem:$0x3FB4] =	sst s0;
	s0 =	simm.s32 @!p1 $0x0  }
0x14: {  	s2 =	sld [smem:$0x3F98];
	s0 =	simm.s32 @p1 $0x1  }
0x15: {  	[smem:$0x3FB5] =	sst s0;
	s0 =	simm.s32 @!p2 $0x0  }
0x16: {  	s3 =	sld [smem:$0x3FDB];
	s0 =	simm.s32 @p2 $0x1  }
0x17: {  	s4 =	simm.s32 $0x1BF5;
	[smem:$0x3FB7] =	sst s0  }
0x18: {  	s0 =	sld [smem:$0x3F9A];
	_ =	swait.ge [sflag:s4], $0x0  }
0x19: {  	s7 =	sld [smem:$0x3F9B]  }
0x1a: {  	s8 =	sadd.s32 $0xFFFFE003, lr  }
0x1b: {  	s9 =	sadd.s32 $0xFFFFFEF7, lr;
	s5 =	simm.s32 $0xFFFFFFFF;
	p2 =	slt.u32 s8, $0xFFFFF086  }
0x1c: {  	p1 =	slt.u32 s9, $0xF7A;
	s5 =	simm.s32 @!p2 $0x0  }
0x1d: {  	s5 =	simm.s32 @p1 $0x1;
	p0 =	seq.s32 s7, s2  }
0x1e: {  	s7 =	smul.u32 @!p0 $0xF7A, s2;
	p2 =	seq.s32 @!p0 s5, $0x0  }
0x1f: {  	s9 =	smul.u32 $0xF7A, s1;
	s8 =	simm.s32 @!p0 $0x1BF5;
	p2 =	por !p2, p0  }
0x20: {  	[sflag:s8] =	ssyncset.s32 @!p0 $0xFFFFF086;
	s6 =	sadd.s32 @!p0 s3, s7;
	s7 =	simm.s32 @!p0 $0x108  }
0x21: {  	s3 =	sadd.s32 s3, s9;
	s6 =	sadd.s32 @!p0 $0x88, s6;
	s7 =	simm.s32 @p2 $0x1082  }
0x22: {  	[simem:s7], [sflag:s8] =	dma.local @!p0 [hbm:s6], $0xF7A  }
0x23: {  	s9 =	sor.u32 $0xD0000000, s2;
	s6 =	simm.s32 $0x108;
	_ =	swait.ge @!p0 [sflag:s8], $0x0  }
0x24: {  	s3 =	sadd.s32 $0x88, s3;
	s6 =	simm.s32 @!p1 $0x1082;
	[sflag:s4] =	ssyncset.s32 $0xFFFFF086  }
0x25: {  	[simem:s6], [sflag:s4] =	dma.local [hbm:s3], $0xF7A  }
0x26: {  	[smem:$0x3F9B] =	sst s1;
	(tag) =	ssettag s2;
	_ =	strace s9  }
0x27: {  	s1 =	sld [smem:$0x3FAB]  }
0x28: {  	s2 =	sld [smem:$0x3FAC]  }
0x29: {  	s4 =	sld [smem:$0x3FAE]  }
0x2a: {  	p0 =	seq.s32 s5, $0x0;
	s5 =	sld [smem:$0x3FAF]  }
0x2b: {  	s6 =	sld [smem:$0x3FB0]  }
0x2c: {  	s7 =	sld [smem:$0x3FB1]  }
0x2d: {  	s3 =	simm.s32 $0x108;
	s8 =	sld [smem:$0x3FB2]  }
0x2e: {  	s3 =	simm.s32 @!p0 $0x1082;
	s9 =	sld [smem:$0x3FB3]  }
0x2f: {  	lr =	sadd.s32 s0, s3;
	s0 =	sld [smem:$0x3FAA]  }
0x30: {  	s3 =	sld [smem:$0x3FAD]  }
0x31: {  	[smem:$0x3FB6] =	sst s10  }
0x32: {  	s10 =	sld [smem:$0x3FB4];
	_ =	sdelay $0x3  }
0x33: {  	p0 =	seq.s32 s10, $0x1;
	s10 =	sld [smem:$0x3FB6];
	_ =	sdelay $0x3  }
0x34: {  	[smem:$0x3FB6] =	sst s10  }
0x35: {  	s10 =	sld [smem:$0x3FB5];
	_ =	sdelay $0x3  }
0x36: {  	p1 =	seq.s32 s10, $0x1;
	s10 =	sld [smem:$0x3FB6];
	_ =	sdelay $0x3  }
0x37: {  	[smem:$0x3FB6] =	sst s10  }
0x38: {  	s10 =	sld [smem:$0x3FB7]  }
0x39: {  	_ = 	snop;
	(pc) =	sbr.ind lr, $3  }
0x3a: {  	_ = 	snop  }
0x3b: {  	_ = 	snop  }
0x3c: {  	p2 =	seq.s32 s10, $0x1;
	s10 =	sld [smem:$0x3FB6]  }
0x3d: {  	_ =	shalt  }
0x3e: {  	_ =	shalt  }
0x3f: {  	_ =	shalt  }
0x40: {  	_ =	shalt  }
0x41: {  	_ =	shalt  }
0x42: {  	_ =	shalt  }
0x43: {  	_ =	shalt  }
0x44: {  	_ =	shalt  }
0x45: {  	_ =	shalt  }
0x46: {  	_ =	shalt  }
0x47: {  	_ =	shalt  }
0x48: {  	_ =	shalt  }
0x49: {  	_ =	shalt  }
0x4a: {  	_ =	shalt  }
0x4b: {  	_ =	shalt  }
0x4c: {  	_ =	shalt  }
0x4d: {  	_ =	shalt  }
0x4e: {  	_ =	shalt  }
0x4f: {  	_ =	shalt  }
0x50: {  	_ =	shalt  }
0x51: {  	_ =	shalt  }
0x52: {  	_ =	shalt  }
0x53: {  	_ =	shalt  }
0x54: {  	_ =	shalt  }
0x55: {  	_ =	shalt  }
0x56: {  	_ =	shalt  }
0x57: {  	_ =	shalt  }
0x58: {  	_ =	shalt  }
0x59: {  	_ =	shalt  }
0x5a: {  	_ =	shalt  }
0x5b: {  	_ =	shalt  }
0x5c: {  	_ =	shalt  }
0x5d: {  	_ =	shalt  }
0x5e: {  	_ =	shalt  }
0x5f: {  	_ =	shalt  }
0x60: {  	_ =	shalt  }
0x61: {  	_ =	shalt  }
0x62: {  	_ =	shalt  }
0x63: {  	_ =	shalt  }
0x64: {  	_ =	shalt  }
0x65: {  	_ =	shalt  }
0x66: {  	_ =	shalt  }
0x67: {  	_ =	shalt  }
0x68: {  	_ =	shalt  }
0x69: {  	_ =	shalt  }
0x6a: {  	_ =	shalt  }
0x6b: {  	_ =	shalt  }
0x6c: {  	_ =	shalt  }
0x6d: {  	_ =	shalt  }
0x6e: {  	_ =	shalt  }
0x6f: {  	_ =	shalt  }
0x70: {  	_ =	shalt  }
0x71: {  	_ =	shalt  }
0x72: {  	_ =	shalt  }
0x73: {  	_ =	shalt  }
0x74: {  	_ =	shalt  }
0x75: {  	_ =	shalt  }
0x76: {  	_ =	shalt  }
0x77: {  	_ =	shalt  }
0x78: {  	_ =	shalt  }
0x79: {  	_ =	shalt  }
0x7a: {  	_ =	shalt  }
0x7b: {  	_ =	shalt  }
0x7c: {  	_ =	shalt  }
0x7d: {  	_ =	shalt  }
0x7e: {  	_ =	shalt  }
0x7f: {  	_ =	shalt  }
0x80: {  	_ =	shalt  }
0x81: {  	_ =	shalt  }
0x82: {  	_ =	shalt  }
0x83: {  	_ =	shalt  }
0x84: {  	_ =	shalt  }
0x85: {  	_ =	shalt  }
0x86: {  	_ =	shalt  }
0x87: {  	_ =	shalt  }
.Lfunc_end0:
.L_simem_size_0:
called_computation_lowered:
.L_overlay_start_0:
0x88: {  	s2 =	sld [smem:$0x3FD9]  }
0x89: {  	s3 =	sld [smem:$0x3FFE];
	_ =	sdelay $0x1  }
0x8a: {  	s1 =	srdreg.scid  }
0x8b: {  	s0 =	sand.u32 $0x1, s1  }
0x8c: {  	s16 =	sshll.u32 s0, $0xA;
	s2 =	sadd.s32 s3, s2  }
0x8d: {  	s2 =	sadd.s32 s2, s16  }
0x8e: {  	[smem:$0x3FC2] =	sst s2  }
0x8f: {  	_ = 	snop  }
0x90: {  	(tm) =	ssettm $0x1  }
0x91: {  	s17 =	sld [smem:$0x3FFB];
	_ =	sdelay $0x3  }
0x92: {  	_ =	strace s17  }
0x93: {  	s2 =	sld [smem:$0x3FFC];
	_ =	sdelay $0x3  }
0x94: {  	_ =	strace s2  }
0x95: {  	s2 =	sld [smem:$0x3FFD];
	_ =	sdelay $0x3  }
0x96: {  	_ =	strace s2  }
0x97: {  	_ =	strace $0x8FFFFFFF  }
0x98: {  	s18 =	sld [smem:$0x3FDB];
	_ =	sdelay $0x1  }
0x99: {  	s19 =	simm.s32 $_scs_section_size  }
0x9a: {  	s4 =	simm.s32 $_size__tile_overlayer_lowered;
	s5 =	simm.s32 $_tile_overlayer_lowered  }
0x9b: {  	s22 =	simm.s32 $0x1BFF;
	s21 =	sshll.u32 s5, $0x1;
	s2 =	sadd.s32 s19, s18  }
0x9c: {  	s6 =	simm.s32 $0x0;
	s20 =	sshll.u32 s4, $0x1;
	s4 =	sadd.s32 s21, s2  }
0x9d: {  	[timem:s6], [sflag:s22] =	dma.local [hbm:s4], s20  }
0x9e: {  	_ =	swait.ge [sflag:s22], s20  }
0x9f: {  	s3 =	ssub.s32 $0x0, s20;
	[sflag:s22] =	ssyncset.done $0x0  }
0xa0: {  	[sflag:s22] =	ssyncadd.s32 s3;
	_ =	sdelay $0x1  }
0xa1: {  	s23 =	simm.s32 $0x1B8B  }
0xa2: {  	_ =	swait.ge [sflag:s23], $0x1  }
0xa3: {  	[sflag:s23] =	ssyncset.done $0x0  }
0xa4: {  	s25 =	simm.s32 $0x1B8E;
	s24 =	sld [smem:$0x3FFE];
	[sflag:s23] =	ssyncadd.s32 $0xFFFFFFFF  }
0xa5: {  	s26 =	simm.s32 $execute0_lowered;
	[smem:$0x3FD2] =	sst s25  }
0xa6: {  	s4 =	sshll.u32 s26, $0x1;
	_ =	strace $0x80000046;
	[dreg:$0x1] =	wrdreg $0xFFFFFFFF  }
0xa7: {  	s28 =	simm.s32 $_size_execute0_lowered;
	s2 =	sadd.s32 s2, s4;
	[dreg:$0x0] =	wrdreg $0x0  }
0xa8: {  	s4 =	sshll.u32 s28, $0x1;
	[dreg:$0x2] =	wrdreg s2  }
0xa9: {  	[dreg:$0x3] =	wrdreg s4  }
0xaa: {  	[dreg:$0x4] =	wrdreg $0xC0  }
0xab: {  	_ =	task [dreg:s6], $0x5FFFF  }
0xac: {  	[dreg:$0x1] =	wrdreg $0xFFFFFFFF  }
0xad: {  	[dreg:$0x0] =	wrdreg $0x60  }
0xae: {  	[dreg:$0x2] =	wrdreg s24  }
0xaf: {  	[dreg:$0x3] =	wrdreg $0x9  }
0xb0: {  	_ =	task.clear_ibuf [dreg:s6], $0x4FFFF;
	_ =	strace $0x90000046  }
0xb1: {  	s29 =	simm.s32 $0x9;
	_ =	strace $0x80000048  }
0xb2: {  	_ =	swait.ge [sflag:s29], $0x1  }
0xb3: {  	[sflag:s29] =	ssyncadd.s32 $0xFFFFFFFF  }
0xb4: {  	_ =	strace $0x90000048  }
0xb5: {  	_ =	sfence  }
0xb6: {  	s30 =	sld [smem:$0x0];
	_ =	sdelay $0x2  }
0xb7: {  	s31 =	sshll.u32 s1, $0xD;
	s1 =	sshrl.u32 s1, $0x2  }
0xb8: {  	s3 =	sand.u32 $0x4000, s31;
	s1 =	sadd.s32 s1, s30  }
0xb9: {  	s0 =	sor.u32 s3, s0;
	s1 =	sshll.u32 s1, $0x11  }
0xba: {  	s0 =	sor.u32 s1, s0  }
0xbb: {  	s0 =	sadd.s32 $0x8F2B, s0  }
0xbc: {  	[sflag:s0] =	ssyncadd.remote.s32 $0x1  }
0xbd: {  	_ =	sfence.sel $0xFFFF  }
0xbe: {  	[dreg:$0x0] =	wrdreg $0xFFFFFFFF;
	(pc) =	sbr.abs _section_cstart, $3  }
0xbf: {  	[dreg:$0x1] =	wrdreg $0xFFFFFFFF  }
0xc0: {  	_ =	task.clear_ibuf [dreg:s6], $0x2FFFF;
	_ =	strace $0x9FFFFFFF  }
0xc1: {  	(tm) =	ssettm $0x7FFFFFFF  }
tec
execute0_lowered:
.L_overlay_start_1:
0x0: {  	(tag) =	ssettag $0x1  }
0x1: {  	s5 =	rddreg [dreg:$0x0]  }
0x2: {  	s0 =	rddreg [dreg:$0x1];
	s1 =	simm.s32 $0x0;
	s4 =	srdreg.scid  }
0x3: {  	s2 =	stileid.u32;
	s10 =	simm.s32 $0x80;
	s11 =	simm.s32 $0x2060  }
0x4: {  	s13 =	simm.s32 $0x2160;
	s14 =	simm.s32 $0x21E0;
	s15 =	simm.s32 $0x1  }
0x5: {  	s16 =	simm.s32 $0x2;
	s17 =	simm.s32 $0x0;
	[smem:$0x7FF] =	sst s1  }
0x6: {  	s3 =	sadd.s32 $0x81200, s5;
	s6 =	sand.u32 $0x1, s4;
	s4 =	sadd.s32 $0x1200, s5  }
0x7: {  	s8 =	sshll.u32 s2, $0x1;
	s5 =	sadd.s32 $0xC1200, s5;
	s30 =	sshrl.u32 s2, $0x2  }
.Ltmp0:
0x8: {  	_ =	strace $0x80000047;
	s7 =	ssub.s32 $0x2, s6;
	(pc) =	sbr.rel .LBB2_1-.Ltmp0, $4  }
0x9: {  	s8 =	sand.u32 $0x6, s8;
	s12 =	sshll.u32 s30, $0xD;
	s31 =	sshll.u32 s30, $0xA  }
0xa: {  	s9 =	sshrl.u32 s7, $0x1;
	s6 =	sor.u32 s6, s8;
	s8 =	simm.s32 $0x3  }
0xb: {  	v1 =	vlaneseq.u32;
	v0 =	vmov s12;
	s12 =	simm.s32 $0x20E0;
	s7 =	ssub.s32 s7, s9;
	s6 =	sshll.u32 s6, $0x7  }
0xc: {  	v2 =	vimm.f32 $0.0e+00;
	vm0 =	vmmov $0x1;
	v3 =	vor.u32 $0x10, v1;
	s9 =	simm.s32 $0x2000;
	s6 =	sor.u32 s31, s6;
	s7 =	smax.u32 s7, $0x1  }
.LBB2_11:
0xd: {  	s17 =	sadd.s32 $0x1, s17  }
0xe: {  	_ =	swait.ge [sflag:s16], $0x8000;
	p0 =	sne.s32 s17, s7  }
.Ltmp1:
0xf: {  	[sflag:s16] =	ssyncset.done $0x0;
	(pc) =	sbr.rel @!p0 .LBB2_12-.Ltmp1, $4  }
0x10: {  	[sflag:s16] =	ssyncadd.s32 $0xFFFF8000  }
0x11: {  	_ =	swait.ge [sflag:s16], $0x8000  }
0x12: {  	[sflag:s16] =	ssyncset.done $0x0  }
0x13: {  	[sflag:s16] =	ssyncadd.s32 $0xFFFF8000  }
.LBB2_1:
.Ltmp2:
0x14: {  	(pc) =	sbr.rel .LBB2_2-.Ltmp2, $2  }
0x15: {  	_ =	sdelay $0x2  }
0x16: {  	s18 =	simm.s32 $0x0  }
.LBB2_10:
0x17: {  	p0 =	slt.u32 s18, $0x2  }
0x18: {  	s20 =	sshll.u32 s18, $0x11;
	s21 =	simm.s32 @!p0 $0x2  }
0x19: {  	s20 =	sand.u32 $0x20000, s20;
	_ =	swait.ge @!p0 [sflag:s21], $0x8000  }
0x1a: {  	s20 =	sshrl.u32 s20, $0x2;
	[sflag:s21] =	ssyncset.done @!p0 $0x0  }
0x1b: {  	s30 =	sadd.s32 $0x2260, s20;
	[sflag:s21] =	ssyncadd.s32 @!p0 $0xFFFF8000  }
0x1c: {  	[tilespmem:s30], [sflag:$0x1] =	stream.indirect.gather [hbm4b:s4+s10], $0x40, s11, s10, $0xb8;
	[tilespmem:$0x12260] =	vst v63  }
0x1d: {  	s22 =	sadd.s32 $0x4260, s20  }
0x1e: {  	[tilespmem:s22], [sflag:$0x1] =	stream.indirect.gather [hbm4b:s4+s10], $0x40, s12, s10, $0xb8;
	[tilespmem:$0x12260] =	vst v63  }
0x1f: {  	s31 =	sadd.s32 $0x6260, s20  }
0x20: {  	[tilespmem:s31], [sflag:$0x1] =	stream.indirect.gather [hbm4b:s4+s10], $0x40, s13, s10, $0xb8;
	[tilespmem:$0x12260] =	vst v63  }
0x21: {  	s20 =	sadd.s32 $0x8260, s20  }
0x22: {  	[tilespmem:s20], [sflag:$0x1] =	stream.indirect.gather [hbm4b:s4+s10], $0x40, s14, s10, $0xb8;
	[tilespmem:$0x12260] =	vst v63  }
0x23: {  	_ =	swait.ge [sflag:s15], $0x2000  }
0x24: {  	[sflag:s15] =	ssyncset.done $0x0  }
0x25: {  	[sflag:s15] =	ssyncadd.s32 $0xFFFFE000  }
0x26: {  	_ =	swait.ge [sflag:s15], $0x2000  }
0x27: {  	[sflag:s15] =	ssyncset.done $0x0  }
0x28: {  	[sflag:s15] =	ssyncadd.s32 $0xFFFFE000  }
0x29: {  	s18 =	sadd.s32 $0x1, s18;
	_ =	swait.ge [sflag:s15], $0x2000  }
0x2a: {  	p0 =	sne.s32 s18, $0x8;
	[sflag:s15] =	ssyncset.done $0x0  }
.Ltmp3:
0x2b: {  	[sflag:s15] =	ssyncadd.s32 $0xFFFFE000;
	(pc) =	sbr.rel @!p0 .LBB2_11-.Ltmp3, $4  }
0x2c: {  	s19 =	sshll.u32 s19, $0x8;
	_ =	swait.ge [sflag:s15], $0x2000  }
0x2d: {  	s19 =	sand.u32 $0x1FFFF000, s19;
	[sflag:s15] =	ssyncset.done $0x0  }
0x2e: {  	s19 =	sadd.s32 s5, s19;
	[sflag:s15] =	ssyncadd.s32 $0xFFFFE000  }
0x2f: {  	[hbm4b:s19+s1] =	stream.linear.scatter [tilespmem:s30], [sflag:$0x2], $0x8000, $0x38;
	[tilespmem:$0x12260] =	vst v63  }
.LBB2_2:
0x30: {  	s19 =	sshll.u32 s18, $0x4  }
0x31: {  	s19 =	sadd.s32 s6, s19  }
0x32: {  	s20 =	sshll.u32 s19, $0x6  }
0x33: {  	s20 =	sand.u32 $0x1FFFFC00, s20  }
.Ltmp4:
0x34: {  	s21 =	sadd.s32 s3, s20;
	s20 =	simm.s32 $0x0;
	(pc) =	sbr.rel .LBB2_3-.Ltmp4, $4  }
0x35: {  	[tilespmem:s20], [sflag:$0x3] =	stream.linear.gather [hbm4b:s21+s20], $0x2000, $0x38;
	[tilespmem:$0x12260] =	vst v63  }
0x36: {  	_ =	swait.ge [sflag:s8], $0x2000  }
0x37: {  	[sflag:s8] =	ssyncset.done $0x0  }
0x38: {  	[sflag:s8] =	ssyncadd.s32 $0xFFFFE000  }
.LBB2_9:
0x39: {  	v4 =	vld [tilespmem:$0x2000];
	_ =	sdelay $0x4  }
0x3a: {  	v5 =	vnsel vm0, $0x0, v4  }
0x3b: {  	(xrf0) =	vadd.scan.msk.s32 $0xffff, v5;
	_ =	sdelay $0x4  }
0x3c: {  	v5 =	vld [tilespmem:$0x2010]  }
0x3d: {  	s31 =	sshll.u32 s20, $0x5;
	s20 =	sadd.s32 $0x1, s20;
	v6, _, _ =	vpop (xrf0)  }
0x3e: {  	v7 =	vmov s21;
	p0 =	sne.s32 s20, $0x10;
	v6 =	vbroadcast v6, $0xF  }
.Ltmp5:
0x3f: {  	vm1 =	vgt.s32 v7, v1;
	(pc) =	sbr.rel @!p0 .LBB2_10-.Ltmp5, $4  }
0x40: {  	v4 =	vsel vm1, v4, v6;
	vm1 =	vgt.s32 v7, v3  }
0x41: {  	s21 =	sand.u32 $0x3FFFFFE0, s31;
	v4 =	vadd.s32 v0, v4;
	v5 =	vsel vm1, v5, v6  }
0x42: {  	v5 =	vadd.s32 v0, v5;
	[tilespmem:s21+$0x2060] =	vst v4  }
0x43: {  	[tilespmem:s21+$0x2070] =	vst v5  }
.LBB2_3:
.Ltmp6:
0x44: {  	(pc) =	sbr.rel .LBB2_4-.Ltmp6, $4  }
0x45: {  	_ = 	snop  }
0x46: {  	s21 =	sshll.u32 s20, $0x9  }
0x47: {  	s21 =	sand.u32 $0x3FFFFE00, s21  }
0x48: {  	s22 =	simm.s32 $0x0;
	v4 =	vmov s21;
	s21 =	simm.s32 $0x0  }
.LBB2_8:
0x49: {  	p0 =	sgt.u32 s22, $0x1E  }
0x4a: {  	p1 =	slt.s32 @!p0 s21, $0x20  }
0x4b: {  	p0 =	por p0, !p1  }
.Ltmp7:
0x4c: {  	_ = 	snop;
	(pc) =	sbr.rel @p0 .LBB2_9-.Ltmp7, $2  }
0x4d: {  	_ =	sdelay $0x2  }
0x4e: {  	s22 =	sadd.s32 $0x1, s22  }
.LBB2_4:
0x4f: {  	_ =	sdelay $0x2  }
0x50: {  	s23 =	sshll.u32 s22, $0x4  }
0x51: {  	v5 =	vld.idx.msk [tilespmem:v4+s23+$0x0 ss:$0x1], $0xffff;
	_ =	sdelay $0x4  }
0x52: {  	vm1 =	vne.s32 v5, $0x0  }
0x53: {  	v6 =	vsel vm1, $0x3F800000, v2  }
0x54: {  	(xrf0) =	vmax.scan.msk.f32 $0xffff, v6;
	_ =	sdelay $0x5  }
0x55: {  	v6, _, _ =	vpop (xrf0)  }
0x56: {  	(v2sf) =	vpush v6, $0xF;
	_ =	sdelay $0xe  }
0x57: {  	s24 =	spop (v2sf)  }
0x58: {  	p0 =	sgt.f32 s24, $0.0e+00  }
.Ltmp8:
0x59: {  	_ = 	snop;
	(pc) =	sbr.rel @!p0 .LBB2_8-.Ltmp8, $1  }
0x5a: {  	_ =	sdelay $0x3  }
0x5b: {  	v6 =	vmov s23  }
.LBB2_6:
0x5c: {  	v7 =	vmctz.xlane vm1;
	_ =	sdelay $0x1  }
0x5d: {  	vm1 =	veq.s32 v7, v1  }
0x5e: {  	v8 =	vnsel vm1, $0x0, v5  }
0x5f: {  	(xrf0) =	vadd.scan.msk.s32 $0xffff, v8;
	_ =	sdelay $0x5  }
0x60: {  	v8, _, _ =	vpop (xrf0)  }
0x61: {  	v8 =	vbroadcast v8, $0xF;
	_ =	sdelay $0x1  }
0x62: {  	v8 =	vshrl.u32 v8, v1  }
0x63: {  	v5 =	vsel vm1, $0x0, v5;
	v8 =	vand.u32 $0x1, v8  }
0x64: {  	vm1 =	vne.s32 v5, $0x0;
	(xrf0) =	vadd.scan.msk.s32 $0xffff, v8  }
0x65: {  	v9 =	vsel vm1, $0x3F800000, v2  }
0x66: {  	(xrf0) =	vmax.scan.msk.f32 $0xffff, v9;
	_ =	sdelay $0x3  }
0x67: {  	v62, _, _ =	vpop (xrf0)  }
0x68: {  	(v2sf) =	vpush v62, $0xF  }
0x69: {  	v10, _, _ =	vpop (xrf0)  }
0x6a: {  	(v2sf) =	vpush v10, $0xF;
	_ =	sdelay $0xc  }
0x6b: {  	s23 =	spop (v2sf)  }
0x6c: {  	v63 =	vmov s21;
	s21 =	sadd.s32 s21, s23  }
0x6d: {  	v10 =	vadd.s32 $0xFFFFFFFF, v63;
	s23 =	spop (v2sf);
	p0 =	sgt.s32 s21, $0x1F  }
0x6e: {  	v10 =	vbroadcast v10, $0x0;
	p1 =	sgt.f32 @!p0 s23, $0.0e+00  }
0x6f: {  	vm2 =	veq.s32 v8, $0x1  }
0x70: {  	v8 =	vadd.s32 v62, v10;
	p1 =	por p0, !p1  }
.Ltmp9:
0x71: {  	_ = 	snop;
	(pc) =	sbr.rel @!p1 .LBB2_6-.Ltmp9, $4  }
0x72: {  	v7 =	vadd.s32 v6, v7  }
0x73: {  	v7 =	vshll.u32 v7, $0x4  }
0x74: {  	v7 =	vor.u32 v1, v7  }
0x75: {  	[tilespmem:v8+s9+$0x0] =	vst.idx.msk vm2, v7  }
.Ltmp10:
0x76: {  	(pc) =	sbr.rel .LBB2_8-.Ltmp10, $2  }
0x77: {  	_ =	sdelay $0x2  }
0x78: {  	s21 =	smov.u32 @p0 s21  }
.LBB2_12:
0x79: {  	_ =	sfence.sel $0x180000  }
0x7a: {  	[bflag:$0x0] =	sbarrier.arrive $0xFFFF  }
0x7b: {  	p0 =	sne.s32 s2, $0x0;
	_ =	strace $0x90000047  }
0x7c: {  	s0 =	sadd.s32 @!p0 $0x100000, s0;
	[bflag:$0x2] =	sbarrier.arrive $0xFFFF  }
0x7d: {  	[sflag:s0] =	ssyncadd.tile.s32 @!p0 $0x1;
	_ =	shalt  }
.Lfunc_end2:
_tile_overlayer_lowered:
.L_overlay_start_2:
0x7e: {  	(tag) =	ssettag $0x2  }
0x7f: {  	s0 =	rddreg [dreg:$0x0];
	s2 =	stileid.u32  }
0x80: {  	s1 =	rddreg [dreg:$0x1];
	p0 =	sne.s32 s2, $0x0  }
0x81: {  	s3 =	rddreg [dreg:$0x2];
	[bflag:$0x3] =	sbarrier.arrive $0xFFFF;
	s2 =	simm.s32 @!p0 $0x1C03  }
0x82: {  	[timem:s3], [sflag:s2] =	dma.local @!p0 [hbm:s0], s1  }
0x83: {  	s0 =	simm.s32 @!p0 $0x3  }
0x84: {  	_ =	swait.ge @!p0 [sflag:s0], s1  }
0x85: {  	s1 =	ssub.s32 @!p0 $0x0, s1;
	[sflag:s0] =	ssyncset.done @!p0 $0x0  }
0x86: {  	[sflag:s0] =	ssyncadd.s32 @!p0 s1  }
0x87: {  	[bflag:$0x3] =	sbarrier.arrive $0xFFFF  }
0x88: {  	_ =	shalt  }

</sc_bundles>
